<compile_context>
chip_gen: v7x
topology: tpu7x:2x2x1
jax: 0.10.2.dev20260603
libtpu: 0.0.44.dev20260713+nightly
codegen_flags: <defaults>
</compile_context>

<pallas_src>
import functools

import jax
import jax.numpy as jnp
from jax import lax
from jax.experimental import pallas as pl
from jax.experimental.pallas import tpu as pltpu
from jax.experimental.pallas import tpu_sc as plsc



@functools.lru_cache(maxsize=None)
def _make_sc_gather(V, D, B):
  info = plsc.get_sparse_core_info()
  NC, NS, L = info.num_cores, info.num_subcores, info.num_lanes
  NW = NC * NS
  assert B % (8 * NW) == 0
  b_per_w = B // NW
  mesh = plsc.VectorSubcoreMesh(core_axis_name="c", subcore_axis_name="s")

  @functools.partial(
      pl.kernel,
      mesh=mesh,
      out_type=jax.ShapeDtypeStruct((D, B), jnp.float32),
      scratch_types=[
          pltpu.VMEM((b_per_w,), jnp.int32),
      ] + [pltpu.VMEM((b_per_w,), jnp.float32) for _ in range(D)] + [
          pltpu.SemaphoreType.DMA,
      ],
      compiler_params=pltpu.CompilerParams(use_tc_tiling_on_sc=False),
  )
  def gather(*args):
    cols_hbm = args[:D]
    idx_hbm = args[D]
    out_hbm = args[D + 1]
    idx_v = args[D + 2]
    col_v = args[D + 3:D + 3 + D]
    sem = args[D + 3 + D]
    wid = lax.axis_index("s") * NC + lax.axis_index("c")
    base = wid * b_per_w
    pltpu.sync_copy(idx_hbm.at[pl.ds(base, b_per_w)], idx_v)
    copies = [
        pltpu.async_copy(cols_hbm[k].at[idx_v], col_v[k], sem)
        for k in range(D)
    ]
    for c in copies:
      c.wait()
    for k in range(D):
      pltpu.sync_copy(col_v[k], out_hbm.at[k, pl.ds(base, b_per_w)])

  return gather



@functools.lru_cache(maxsize=None)
def _make_col_split(V, D, vchunk):
  def body(t_ref, *out_refs):
    for k in range(D):
      out_refs[k][...] = t_ref[k, :]

  return pl.pallas_call(
      body,
      grid=(pl.cdiv(V, vchunk),),
      in_specs=[pl.BlockSpec((D, vchunk), lambda j: (0, j))],
      out_specs=[pl.BlockSpec((vchunk,), lambda j: (j,)) for _ in range(D)],
      out_shape=[jax.ShapeDtypeStruct((V,), jnp.float32) for _ in range(D)],
      compiler_params=pltpu.CompilerParams(
          dimension_semantics=("arbitrary",),
      ),
  )



def _proj_body(w_ref, x_ref, o_ref):
  o_ref[...] = lax.dot_general(
      w_ref[...], x_ref[...],
      dimension_numbers=(((0,), (0,)), ((), ())),
      preferred_element_type=jnp.float32,
  )


@functools.lru_cache(maxsize=None)
def _make_projection(V, De, B, vblk):
  grid = (pl.cdiv(V, vblk),)
  return pl.pallas_call(
      _proj_body,
      grid=grid,
      in_specs=[
          pl.BlockSpec((De, vblk), lambda j: (0, j)),
          pl.BlockSpec((De, B), lambda j: (0, 0)),
      ],
      out_specs=pl.BlockSpec((vblk, B), lambda j: (j, 0)),
      out_shape=jax.ShapeDtypeStruct((V, B), jnp.float32),
      compiler_params=pltpu.CompilerParams(
          dimension_semantics=("arbitrary",),
      ),
  )


def kernel(x, emb, W, b):
  V, D = emb.shape
  B = x.shape[0]
  xi = x.astype(jnp.int32)
  cols = _make_col_split(V, D, 25600)(emb.T)
  rowsT = _make_sc_gather(V, D, B)(*cols, xi)
  xeT = jnp.concatenate([rowsT, jnp.ones((1, B), jnp.float32)], axis=0)
  WeT = jnp.concatenate([W.T, b[None, :]], axis=0)
  outT = _make_projection(V, D + 1, B, 3200)(WeT, xeT)
  return outT.T

# --- scband reference (transcript-rebuilt; emitter-appended) ---
"""Pipeline reference for scband-skip-gram-9079560864631 (READ-ONLY COPY).

The authoritative reference and input builder live on the scoring server;
editing this copy changes nothing except your own understanding.
"""

import jax, jax.numpy as jnp
import numpy as np

V = 100000
D = 16
B = 1024

def setup_inputs(seed: int = 0) -> dict:
    key = jax.random.key(seed)
    k1, k2, k3, k4 = jax.random.split(key, 4)
    x = jax.random.randint(k1, (B,), 0, V, dtype=jnp.int64)
    # nn.Embedding weight: [V, D], init N(0,1)
    emb = jax.random.normal(k2, (V, D), dtype=jnp.float32)
    # nn.Linear(D, V): weight [V, D], bias [V]
    bound = 1.0 / np.sqrt(D)
    W = jax.random.uniform(k3, (V, D), dtype=jnp.float32, minval=-bound, maxval=bound)
    b = jax.random.uniform(k4, (V,), dtype=jnp.float32, minval=-bound, maxval=bound)
    return {"x": x, "emb": emb, "W": W, "b": b}

def reference(x, emb, W, b):
    out1 = jnp.take(emb, x, axis=0)          # [B, D] embedding lookup
    out2 = out1 @ W.T + b                    # [B, V] linear projection to vocab
    return out2

if __name__ == "__main__":
    import jax
    _d = setup_inputs()
    print(jax.jit(kernel)(*tuple(_d.values())))

</pallas_src>

<mosaic_0001>
#map = affine_map<(d0, d1) -> (0)>
#map1 = affine_map<(d0, d1) -> (0, 0)>
module attributes {stable_mosaic.version = 14 : i64} {
  func.func @gather(%arg0: i32, %arg1: i32, %arg2: memref<100000xf32, #tpu.memory_space<hbm>>, %arg3: memref<100000xf32, #tpu.memory_space<hbm>>, %arg4: memref<100000xf32, #tpu.memory_space<hbm>>, %arg5: memref<100000xf32, #tpu.memory_space<hbm>>, %arg6: memref<100000xf32, #tpu.memory_space<hbm>>, %arg7: memref<100000xf32, #tpu.memory_space<hbm>>, %arg8: memref<100000xf32, #tpu.memory_space<hbm>>, %arg9: memref<100000xf32, #tpu.memory_space<hbm>>, %arg10: memref<100000xf32, #tpu.memory_space<hbm>>, %arg11: memref<100000xf32, #tpu.memory_space<hbm>>, %arg12: memref<100000xf32, #tpu.memory_space<hbm>>, %arg13: memref<100000xf32, #tpu.memory_space<hbm>>, %arg14: memref<100000xf32, #tpu.memory_space<hbm>>, %arg15: memref<100000xf32, #tpu.memory_space<hbm>>, %arg16: memref<100000xf32, #tpu.memory_space<hbm>>, %arg17: memref<100000xf32, #tpu.memory_space<hbm>>, %arg18: memref<1024xi32, #tpu.memory_space<hbm>>, %arg19: memref<16x1024xf32, #tpu.memory_space<hbm>>, %arg20: memref<32xi32, #tpu.memory_space<vmem>>, %arg21: memref<32xf32, #tpu.memory_space<vmem>>, %arg22: memref<32xf32, #tpu.memory_space<vmem>>, %arg23: memref<32xf32, #tpu.memory_space<vmem>>, %arg24: memref<32xf32, #tpu.memory_space<vmem>>, %arg25: memref<32xf32, #tpu.memory_space<vmem>>, %arg26: memref<32xf32, #tpu.memory_space<vmem>>, %arg27: memref<32xf32, #tpu.memory_space<vmem>>, %arg28: memref<32xf32, #tpu.memory_space<vmem>>, %arg29: memref<32xf32, #tpu.memory_space<vmem>>, %arg30: memref<32xf32, #tpu.memory_space<vmem>>, %arg31: memref<32xf32, #tpu.memory_space<vmem>>, %arg32: memref<32xf32, #tpu.memory_space<vmem>>, %arg33: memref<32xf32, #tpu.memory_space<vmem>>, %arg34: memref<32xf32, #tpu.memory_space<vmem>>, %arg35: memref<32xf32, #tpu.memory_space<vmem>>, %arg36: memref<32xf32, #tpu.memory_space<vmem>>, %arg37: memref<!tpu.dma_semaphore, #tpu.memory_space<semaphore_mem>>) attributes {dimension_semantics = [#tpu.dimension_semantics<core_parallel>, #tpu.dimension_semantics<subcore_parallel>], iteration_bounds = array<i64: 2, 16>, scalar_prefetch = 0 : i64, scratch_operands = 18 : i64, tpu.core_type = #tpu.core_type<sc_vector_subcore>, window_params = [{transform_indices = #map}, {transform_indices = #map}, {transform_indices = #map}, {transform_indices = #map}, {transform_indices = #map}, {transform_indices = #map}, {transform_indices = #map}, {transform_indices = #map}, {transform_indices = #map}, {transform_indices = #map}, {transform_indices = #map}, {transform_indices = #map}, {transform_indices = #map}, {transform_indices = #map}, {transform_indices = #map}, {transform_indices = #map}, {transform_indices = #map}, {transform_indices = #map1}]} {
    %mul3A = arith.constant 2 : i32
    %mul3A_0 = arith.muli %arg1, %mul3A : i32
    %add3A = arith.addi %mul3A_0, %arg0 : i32
    %mul3A_1 = arith.constant 32 : i32
    %mul3A_2 = arith.muli %add3A, %mul3A_1 : i32
    "tpu.region"() ({
      %run_scoped3A_80 = tpu.sem_alloc : memref<!tpu.dma_semaphore, #tpu.memory_space<semaphore_mem>>
      %dma_start3A_81 = tpu.memref_slice %arg18[%mul3A_2] : memref<1024xi32, #tpu.memory_space<hbm>> -> memref<32xi32, #tpu.memory_space<hbm>>
      %dma_start3A_82 = tpu.memref_slice %arg18[%mul3A_2] : memref<1024xi32, #tpu.memory_space<hbm>> -> memref<32xi32, #tpu.memory_space<hbm>>
      tpu.enqueue_dma source(%dma_start3A_82 : memref<32xi32, #tpu.memory_space<hbm>>) target(%arg20 : memref<32xi32, #tpu.memory_space<vmem>>) target_semaphore(%run_scoped3A_80 : memref<!tpu.dma_semaphore, #tpu.memory_space<semaphore_mem>>)
      %dma_wait3A_83 = tpu.memref_slice %arg18[%mul3A_2] : memref<1024xi32, #tpu.memory_space<hbm>> -> memref<32xi32, #tpu.memory_space<hbm>>
      %dma_wait3A_84 = tpu.memref_slice %arg18[%mul3A_2] : memref<1024xi32, #tpu.memory_space<hbm>> -> memref<32xi32, #tpu.memory_space<hbm>>
      tpu.wait_dma2 semaphore(%run_scoped3A_80 : memref<!tpu.dma_semaphore, #tpu.memory_space<semaphore_mem>>) src(%dma_wait3A_84 : memref<32xi32, #tpu.memory_space<hbm>>) dst(%arg20 : memref<32xi32, #tpu.memory_space<vmem>>)
      tpu.yield
    }) : () -> ()
    %dma_start3A = arith.constant 0 : i32
    %dma_start3A_3 = tpu.memref_slice %arg2[%dma_start3A] : memref<100000xf32, #tpu.memory_space<hbm>> -> memref<100000xf32, #tpu.memory_space<hbm>>
    tpu.enqueue_indirect_dma source(%dma_start3A_3 : memref<100000xf32, #tpu.memory_space<hbm>>) target(%arg21 : memref<32xf32, #tpu.memory_space<vmem>>) offsets(%arg20 : memref<32xi32, #tpu.memory_space<vmem>>) semaphore(%arg37 : memref<!tpu.dma_semaphore, #tpu.memory_space<semaphore_mem>>)
    %dma_start3A_4 = arith.constant 0 : i32
    %dma_start3A_5 = tpu.memref_slice %arg3[%dma_start3A_4] : memref<100000xf32, #tpu.memory_space<hbm>> -> memref<100000xf32, #tpu.memory_space<hbm>>
    tpu.enqueue_indirect_dma source(%dma_start3A_5 : memref<100000xf32, #tpu.memory_space<hbm>>) target(%arg22 : memref<32xf32, #tpu.memory_space<vmem>>) offsets(%arg20 : memref<32xi32, #tpu.memory_space<vmem>>) semaphore(%arg37 : memref<!tpu.dma_semaphore, #tpu.memory_space<semaphore_mem>>)
    %dma_start3A_6 = arith.constant 0 : i32
    %dma_start3A_7 = tpu.memref_slice %arg4[%dma_start3A_6] : memref<100000xf32, #tpu.memory_space<hbm>> -> memref<100000xf32, #tpu.memory_space<hbm>>
    tpu.enqueue_indirect_dma source(%dma_start3A_7 : memref<100000xf32, #tpu.memory_space<hbm>>) target(%arg23 : memref<32xf32, #tpu.memory_space<vmem>>) offsets(%arg20 : memref<32xi32, #tpu.memory_space<vmem>>) semaphore(%arg37 : memref<!tpu.dma_semaphore, #tpu.memory_space<semaphore_mem>>)
    %dma_start3A_8 = arith.constant 0 : i32
    %dma_start3A_9 = tpu.memref_slice %arg5[%dma_start3A_8] : memref<100000xf32, #tpu.memory_space<hbm>> -> memref<100000xf32, #tpu.memory_space<hbm>>
    tpu.enqueue_indirect_dma source(%dma_start3A_9 : memref<100000xf32, #tpu.memory_space<hbm>>) target(%arg24 : memref<32xf32, #tpu.memory_space<vmem>>) offsets(%arg20 : memref<32xi32, #tpu.memory_space<vmem>>) semaphore(%arg37 : memref<!tpu.dma_semaphore, #tpu.memory_space<semaphore_mem>>)
    %dma_start3A_10 = arith.constant 0 : i32
    %dma_start3A_11 = tpu.memref_slice %arg6[%dma_start3A_10] : memref<100000xf32, #tpu.memory_space<hbm>> -> memref<100000xf32, #tpu.memory_space<hbm>>
    tpu.enqueue_indirect_dma source(%dma_start3A_11 : memref<100000xf32, #tpu.memory_space<hbm>>) target(%arg25 : memref<32xf32, #tpu.memory_space<vmem>>) offsets(%arg20 : memref<32xi32, #tpu.memory_space<vmem>>) semaphore(%arg37 : memref<!tpu.dma_semaphore, #tpu.memory_space<semaphore_mem>>)
    %dma_start3A_12 = arith.constant 0 : i32
    %dma_start3A_13 = tpu.memref_slice %arg7[%dma_start3A_12] : memref<100000xf32, #tpu.memory_space<hbm>> -> memref<100000xf32, #tpu.memory_space<hbm>>
    tpu.enqueue_indirect_dma source(%dma_start3A_13 : memref<100000xf32, #tpu.memory_space<hbm>>) target(%arg26 : memref<32xf32, #tpu.memory_space<vmem>>) offsets(%arg20 : memref<32xi32, #tpu.memory_space<vmem>>) semaphore(%arg37 : memref<!tpu.dma_semaphore, #tpu.memory_space<semaphore_mem>>)
    %dma_start3A_14 = arith.constant 0 : i32
    %dma_start3A_15 = tpu.memref_slice %arg8[%dma_start3A_14] : memref<100000xf32, #tpu.memory_space<hbm>> -> memref<100000xf32, #tpu.memory_space<hbm>>
    tpu.enqueue_indirect_dma source(%dma_start3A_15 : memref<100000xf32, #tpu.memory_space<hbm>>) target(%arg27 : memref<32xf32, #tpu.memory_space<vmem>>) offsets(%arg20 : memref<32xi32, #tpu.memory_space<vmem>>) semaphore(%arg37 : memref<!tpu.dma_semaphore, #tpu.memory_space<semaphore_mem>>)
    %dma_start3A_16 = arith.constant 0 : i32
    %dma_start3A_17 = tpu.memref_slice %arg9[%dma_start3A_16] : memref<100000xf32, #tpu.memory_space<hbm>> -> memref<100000xf32, #tpu.memory_space<hbm>>
    tpu.enqueue_indirect_dma source(%dma_start3A_17 : memref<100000xf32, #tpu.memory_space<hbm>>) target(%arg28 : memref<32xf32, #tpu.memory_space<vmem>>) offsets(%arg20 : memref<32xi32, #tpu.memory_space<vmem>>) semaphore(%arg37 : memref<!tpu.dma_semaphore, #tpu.memory_space<semaphore_mem>>)
    %dma_start3A_18 = arith.constant 0 : i32
    %dma_start3A_19 = tpu.memref_slice %arg10[%dma_start3A_18] : memref<100000xf32, #tpu.memory_space<hbm>> -> memref<100000xf32, #tpu.memory_space<hbm>>
    tpu.enqueue_indirect_dma source(%dma_start3A_19 : memref<100000xf32, #tpu.memory_space<hbm>>) target(%arg29 : memref<32xf32, #tpu.memory_space<vmem>>) offsets(%arg20 : memref<32xi32, #tpu.memory_space<vmem>>) semaphore(%arg37 : memref<!tpu.dma_semaphore, #tpu.memory_space<semaphore_mem>>)
    %dma_start3A_20 = arith.constant 0 : i32
    %dma_start3A_21 = tpu.memref_slice %arg11[%dma_start3A_20] : memref<100000xf32, #tpu.memory_space<hbm>> -> memref<100000xf32, #tpu.memory_space<hbm>>
    tpu.enqueue_indirect_dma source(%dma_start3A_21 : memref<100000xf32, #tpu.memory_space<hbm>>) target(%arg30 : memref<32xf32, #tpu.memory_space<vmem>>) offsets(%arg20 : memref<32xi32, #tpu.memory_space<vmem>>) semaphore(%arg37 : memref<!tpu.dma_semaphore, #tpu.memory_space<semaphore_mem>>)
    %dma_start3A_22 = arith.constant 0 : i32
    %dma_start3A_23 = tpu.memref_slice %arg12[%dma_start3A_22] : memref<100000xf32, #tpu.memory_space<hbm>> -> memref<100000xf32, #tpu.memory_space<hbm>>
    tpu.enqueue_indirect_dma source(%dma_start3A_23 : memref<100000xf32, #tpu.memory_space<hbm>>) target(%arg31 : memref<32xf32, #tpu.memory_space<vmem>>) offsets(%arg20 : memref<32xi32, #tpu.memory_space<vmem>>) semaphore(%arg37 : memref<!tpu.dma_semaphore, #tpu.memory_space<semaphore_mem>>)
    %dma_start3A_24 = arith.constant 0 : i32
    %dma_start3A_25 = tpu.memref_slice %arg13[%dma_start3A_24] : memref<100000xf32, #tpu.memory_space<hbm>> -> memref<100000xf32, #tpu.memory_space<hbm>>
    tpu.enqueue_indirect_dma source(%dma_start3A_25 : memref<100000xf32, #tpu.memory_space<hbm>>) target(%arg32 : memref<32xf32, #tpu.memory_space<vmem>>) offsets(%arg20 : memref<32xi32, #tpu.memory_space<vmem>>) semaphore(%arg37 : memref<!tpu.dma_semaphore, #tpu.memory_space<semaphore_mem>>)
    %dma_start3A_26 = arith.constant 0 : i32
    %dma_start3A_27 = tpu.memref_slice %arg14[%dma_start3A_26] : memref<100000xf32, #tpu.memory_space<hbm>> -> memref<100000xf32, #tpu.memory_space<hbm>>
    tpu.enqueue_indirect_dma source(%dma_start3A_27 : memref<100000xf32, #tpu.memory_space<hbm>>) target(%arg33 : memref<32xf32, #tpu.memory_space<vmem>>) offsets(%arg20 : memref<32xi32, #tpu.memory_space<vmem>>) semaphore(%arg37 : memref<!tpu.dma_semaphore, #tpu.memory_space<semaphore_mem>>)
    %dma_start3A_28 = arith.constant 0 : i32
    %dma_start3A_29 = tpu.memref_slice %arg15[%dma_start3A_28] : memref<100000xf32, #tpu.memory_space<hbm>> -> memref<100000xf32, #tpu.memory_space<hbm>>
    tpu.enqueue_indirect_dma source(%dma_start3A_29 : memref<100000xf32, #tpu.memory_space<hbm>>) target(%arg34 : memref<32xf32, #tpu.memory_space<vmem>>) offsets(%arg20 : memref<32xi32, #tpu.memory_space<vmem>>) semaphore(%arg37 : memref<!tpu.dma_semaphore, #tpu.memory_space<semaphore_mem>>)
    %dma_start3A_30 = arith.constant 0 : i32
    %dma_start3A_31 = tpu.memref_slice %arg16[%dma_start3A_30] : memref<100000xf32, #tpu.memory_space<hbm>> -> memref<100000xf32, #tpu.memory_space<hbm>>
    tpu.enqueue_indirect_dma source(%dma_start3A_31 : memref<100000xf32, #tpu.memory_space<hbm>>) target(%arg35 : memref<32xf32, #tpu.memory_space<vmem>>) offsets(%arg20 : memref<32xi32, #tpu.memory_space<vmem>>) semaphore(%arg37 : memref<!tpu.dma_semaphore, #tpu.memory_space<semaphore_mem>>)
    %dma_start3A_32 = arith.constant 0 : i32
    %dma_start3A_33 = tpu.memref_slice %arg17[%dma_start3A_32] : memref<100000xf32, #tpu.memory_space<hbm>> -> memref<100000xf32, #tpu.memory_space<hbm>>
    tpu.enqueue_indirect_dma source(%dma_start3A_33 : memref<100000xf32, #tpu.memory_space<hbm>>) target(%arg36 : memref<32xf32, #tpu.memory_space<vmem>>) offsets(%arg20 : memref<32xi32, #tpu.memory_space<vmem>>) semaphore(%arg37 : memref<!tpu.dma_semaphore, #tpu.memory_space<semaphore_mem>>)
    %dma_wait3A = arith.constant 0 : i32
    %dma_wait3A_34 = tpu.memref_slice %arg2[%dma_wait3A] : memref<100000xf32, #tpu.memory_space<hbm>> -> memref<100000xf32, #tpu.memory_space<hbm>>
    tpu.wait_indirect_dma semaphore(%arg37 : memref<!tpu.dma_semaphore, #tpu.memory_space<semaphore_mem>>) src(%dma_wait3A_34 : memref<100000xf32, #tpu.memory_space<hbm>>) dst(%arg21 : memref<32xf32, #tpu.memory_space<vmem>>)
    %dma_wait3A_35 = arith.constant 0 : i32
    %dma_wait3A_36 = tpu.memref_slice %arg3[%dma_wait3A_35] : memref<100000xf32, #tpu.memory_space<hbm>> -> memref<100000xf32, #tpu.memory_space<hbm>>
    tpu.wait_indirect_dma semaphore(%arg37 : memref<!tpu.dma_semaphore, #tpu.memory_space<semaphore_mem>>) src(%dma_wait3A_36 : memref<100000xf32, #tpu.memory_space<hbm>>) dst(%arg22 : memref<32xf32, #tpu.memory_space<vmem>>)
    %dma_wait3A_37 = arith.constant 0 : i32
    %dma_wait3A_38 = tpu.memref_slice %arg4[%dma_wait3A_37] : memref<100000xf32, #tpu.memory_space<hbm>> -> memref<100000xf32, #tpu.memory_space<hbm>>
    tpu.wait_indirect_dma semaphore(%arg37 : memref<!tpu.dma_semaphore, #tpu.memory_space<semaphore_mem>>) src(%dma_wait3A_38 : memref<100000xf32, #tpu.memory_space<hbm>>) dst(%arg23 : memref<32xf32, #tpu.memory_space<vmem>>)
    %dma_wait3A_39 = arith.constant 0 : i32
    %dma_wait3A_40 = tpu.memref_slice %arg5[%dma_wait3A_39] : memref<100000xf32, #tpu.memory_space<hbm>> -> memref<100000xf32, #tpu.memory_space<hbm>>
    tpu.wait_indirect_dma semaphore(%arg37 : memref<!tpu.dma_semaphore, #tpu.memory_space<semaphore_mem>>) src(%dma_wait3A_40 : memref<100000xf32, #tpu.memory_space<hbm>>) dst(%arg24 : memref<32xf32, #tpu.memory_space<vmem>>)
    %dma_wait3A_41 = arith.constant 0 : i32
    %dma_wait3A_42 = tpu.memref_slice %arg6[%dma_wait3A_41] : memref<100000xf32, #tpu.memory_space<hbm>> -> memref<100000xf32, #tpu.memory_space<hbm>>
    tpu.wait_indirect_dma semaphore(%arg37 : memref<!tpu.dma_semaphore, #tpu.memory_space<semaphore_mem>>) src(%dma_wait3A_42 : memref<100000xf32, #tpu.memory_space<hbm>>) dst(%arg25 : memref<32xf32, #tpu.memory_space<vmem>>)
    %dma_wait3A_43 = arith.constant 0 : i32
    %dma_wait3A_44 = tpu.memref_slice %arg7[%dma_wait3A_43] : memref<100000xf32, #tpu.memory_space<hbm>> -> memref<100000xf32, #tpu.memory_space<hbm>>
    tpu.wait_indirect_dma semaphore(%arg37 : memref<!tpu.dma_semaphore, #tpu.memory_space<semaphore_mem>>) src(%dma_wait3A_44 : memref<100000xf32, #tpu.memory_space<hbm>>) dst(%arg26 : memref<32xf32, #tpu.memory_space<vmem>>)
    %dma_wait3A_45 = arith.constant 0 : i32
    %dma_wait3A_46 = tpu.memref_slice %arg8[%dma_wait3A_45] : memref<100000xf32, #tpu.memory_space<hbm>> -> memref<100000xf32, #tpu.memory_space<hbm>>
    tpu.wait_indirect_dma semaphore(%arg37 : memref<!tpu.dma_semaphore, #tpu.memory_space<semaphore_mem>>) src(%dma_wait3A_46 : memref<100000xf32, #tpu.memory_space<hbm>>) dst(%arg27 : memref<32xf32, #tpu.memory_space<vmem>>)
    %dma_wait3A_47 = arith.constant 0 : i32
    %dma_wait3A_48 = tpu.memref_slice %arg9[%dma_wait3A_47] : memref<100000xf32, #tpu.memory_space<hbm>> -> memref<100000xf32, #tpu.memory_space<hbm>>
    tpu.wait_indirect_dma semaphore(%arg37 : memref<!tpu.dma_semaphore, #tpu.memory_space<semaphore_mem>>) src(%dma_wait3A_48 : memref<100000xf32, #tpu.memory_space<hbm>>) dst(%arg28 : memref<32xf32, #tpu.memory_space<vmem>>)
    %dma_wait3A_49 = arith.constant 0 : i32
    %dma_wait3A_50 = tpu.memref_slice %arg10[%dma_wait3A_49] : memref<100000xf32, #tpu.memory_space<hbm>> -> memref<100000xf32, #tpu.memory_space<hbm>>
    tpu.wait_indirect_dma semaphore(%arg37 : memref<!tpu.dma_semaphore, #tpu.memory_space<semaphore_mem>>) src(%dma_wait3A_50 : memref<100000xf32, #tpu.memory_space<hbm>>) dst(%arg29 : memref<32xf32, #tpu.memory_space<vmem>>)
    %dma_wait3A_51 = arith.constant 0 : i32
    %dma_wait3A_52 = tpu.memref_slice %arg11[%dma_wait3A_51] : memref<100000xf32, #tpu.memory_space<hbm>> -> memref<100000xf32, #tpu.memory_space<hbm>>
    tpu.wait_indirect_dma semaphore(%arg37 : memref<!tpu.dma_semaphore, #tpu.memory_space<semaphore_mem>>) src(%dma_wait3A_52 : memref<100000xf32, #tpu.memory_space<hbm>>) dst(%arg30 : memref<32xf32, #tpu.memory_space<vmem>>)
    %dma_wait3A_53 = arith.constant 0 : i32
    %dma_wait3A_54 = tpu.memref_slice %arg12[%dma_wait3A_53] : memref<100000xf32, #tpu.memory_space<hbm>> -> memref<100000xf32, #tpu.memory_space<hbm>>
    tpu.wait_indirect_dma semaphore(%arg37 : memref<!tpu.dma_semaphore, #tpu.memory_space<semaphore_mem>>) src(%dma_wait3A_54 : memref<100000xf32, #tpu.memory_space<hbm>>) dst(%arg31 : memref<32xf32, #tpu.memory_space<vmem>>)
    %dma_wait3A_55 = arith.constant 0 : i32
    %dma_wait3A_56 = tpu.memref_slice %arg13[%dma_wait3A_55] : memref<100000xf32, #tpu.memory_space<hbm>> -> memref<100000xf32, #tpu.memory_space<hbm>>
    tpu.wait_indirect_dma semaphore(%arg37 : memref<!tpu.dma_semaphore, #tpu.memory_space<semaphore_mem>>) src(%dma_wait3A_56 : memref<100000xf32, #tpu.memory_space<hbm>>) dst(%arg32 : memref<32xf32, #tpu.memory_space<vmem>>)
    %dma_wait3A_57 = arith.constant 0 : i32
    %dma_wait3A_58 = tpu.memref_slice %arg14[%dma_wait3A_57] : memref<100000xf32, #tpu.memory_space<hbm>> -> memref<100000xf32, #tpu.memory_space<hbm>>
    tpu.wait_indirect_dma semaphore(%arg37 : memref<!tpu.dma_semaphore, #tpu.memory_space<semaphore_mem>>) src(%dma_wait3A_58 : memref<100000xf32, #tpu.memory_space<hbm>>) dst(%arg33 : memref<32xf32, #tpu.memory_space<vmem>>)
    %dma_wait3A_59 = arith.constant 0 : i32
    %dma_wait3A_60 = tpu.memref_slice %arg15[%dma_wait3A_59] : memref<100000xf32, #tpu.memory_space<hbm>> -> memref<100000xf32, #tpu.memory_space<hbm>>
    tpu.wait_indirect_dma semaphore(%arg37 : memref<!tpu.dma_semaphore, #tpu.memory_space<semaphore_mem>>) src(%dma_wait3A_60 : memref<100000xf32, #tpu.memory_space<hbm>>) dst(%arg34 : memref<32xf32, #tpu.memory_space<vmem>>)
    %dma_wait3A_61 = arith.constant 0 : i32
    %dma_wait3A_62 = tpu.memref_slice %arg16[%dma_wait3A_61] : memref<100000xf32, #tpu.memory_space<hbm>> -> memref<100000xf32, #tpu.memory_space<hbm>>
    tpu.wait_indirect_dma semaphore(%arg37 : memref<!tpu.dma_semaphore, #tpu.memory_space<semaphore_mem>>) src(%dma_wait3A_62 : memref<100000xf32, #tpu.memory_space<hbm>>) dst(%arg35 : memref<32xf32, #tpu.memory_space<vmem>>)
    %dma_wait3A_63 = arith.constant 0 : i32
    %dma_wait3A_64 = tpu.memref_slice %arg17[%dma_wait3A_63] : memref<100000xf32, #tpu.memory_space<hbm>> -> memref<100000xf32, #tpu.memory_space<hbm>>
    tpu.wait_indirect_dma semaphore(%arg37 : memref<!tpu.dma_semaphore, #tpu.memory_space<semaphore_mem>>) src(%dma_wait3A_64 : memref<100000xf32, #tpu.memory_space<hbm>>) dst(%arg36 : memref<32xf32, #tpu.memory_space<vmem>>)
    %run_scoped3A = arith.constant 0 : i32
    "tpu.region"() ({
      %run_scoped3A_80 = tpu.sem_alloc : memref<!tpu.dma_semaphore, #tpu.memory_space<semaphore_mem>>
      %dma_start3A_81 = tpu.memref_slice %arg19[%run_scoped3A, %mul3A_2] : memref<16x1024xf32, #tpu.memory_space<hbm>> -> memref<1x32xf32, #tpu.memory_space<hbm>>
      %dma_start3A_82 = tpu.memref_squeeze %dma_start3A_81 : memref<1x32xf32, #tpu.memory_space<hbm>> -> memref<32xf32, #tpu.memory_space<hbm>>
      %dma_start3A_83 = tpu.memref_slice %arg19[%run_scoped3A, %mul3A_2] : memref<16x1024xf32, #tpu.memory_space<hbm>> -> memref<1x32xf32, #tpu.memory_space<hbm>>
      %dma_start3A_84 = tpu.memref_squeeze %dma_start3A_83 : memref<1x32xf32, #tpu.memory_space<hbm>> -> memref<32xf32, #tpu.memory_space<hbm>>
      tpu.enqueue_dma source(%arg21 : memref<32xf32, #tpu.memory_space<vmem>>) target(%dma_start3A_84 : memref<32xf32, #tpu.memory_space<hbm>>) target_semaphore(%run_scoped3A_80 : memref<!tpu.dma_semaphore, #tpu.memory_space<semaphore_mem>>)
      %dma_wait3A_85 = tpu.memref_slice %arg19[%run_scoped3A, %mul3A_2] : memref<16x1024xf32, #tpu.memory_space<hbm>> -> memref<1x32xf32, #tpu.memory_space<hbm>>
      %dma_wait3A_86 = tpu.memref_squeeze %dma_wait3A_85 : memref<1x32xf32, #tpu.memory_space<hbm>> -> memref<32xf32, #tpu.memory_space<hbm>>
      %dma_wait3A_87 = tpu.memref_slice %arg19[%run_scoped3A, %mul3A_2] : memref<16x1024xf32, #tpu.memory_space<hbm>> -> memref<1x32xf32, #tpu.memory_space<hbm>>
      %dma_wait3A_88 = tpu.memref_squeeze %dma_wait3A_87 : memref<1x32xf32, #tpu.memory_space<hbm>> -> memref<32xf32, #tpu.memory_space<hbm>>
      tpu.wait_dma2 semaphore(%run_scoped3A_80 : memref<!tpu.dma_semaphore, #tpu.memory_space<semaphore_mem>>) src(%arg21 : memref<32xf32, #tpu.memory_space<vmem>>) dst(%dma_wait3A_88 : memref<32xf32, #tpu.memory_space<hbm>>)
      tpu.yield
    }) : () -> ()
    %run_scoped3A_65 = arith.constant 1 : i32
    "tpu.region"() ({
      %run_scoped3A_80 = tpu.sem_alloc : memref<!tpu.dma_semaphore, #tpu.memory_space<semaphore_mem>>
      %dma_start3A_81 = tpu.memref_slice %arg19[%run_scoped3A_65, %mul3A_2] : memref<16x1024xf32, #tpu.memory_space<hbm>> -> memref<1x32xf32, #tpu.memory_space<hbm>>
      %dma_start3A_82 = tpu.memref_squeeze %dma_start3A_81 : memref<1x32xf32, #tpu.memory_space<hbm>> -> memref<32xf32, #tpu.memory_space<hbm>>
      %dma_start3A_83 = tpu.memref_slice %arg19[%run_scoped3A_65, %mul3A_2] : memref<16x1024xf32, #tpu.memory_space<hbm>> -> memref<1x32xf32, #tpu.memory_space<hbm>>
      %dma_start3A_84 = tpu.memref_squeeze %dma_start3A_83 : memref<1x32xf32, #tpu.memory_space<hbm>> -> memref<32xf32, #tpu.memory_space<hbm>>
      tpu.enqueue_dma source(%arg22 : memref<32xf32, #tpu.memory_space<vmem>>) target(%dma_start3A_84 : memref<32xf32, #tpu.memory_space<hbm>>) target_semaphore(%run_scoped3A_80 : memref<!tpu.dma_semaphore, #tpu.memory_space<semaphore_mem>>)
      %dma_wait3A_85 = tpu.memref_slice %arg19[%run_scoped3A_65, %mul3A_2] : memref<16x1024xf32, #tpu.memory_space<hbm>> -> memref<1x32xf32, #tpu.memory_space<hbm>>
      %dma_wait3A_86 = tpu.memref_squeeze %dma_wait3A_85 : memref<1x32xf32, #tpu.memory_space<hbm>> -> memref<32xf32, #tpu.memory_space<hbm>>
      %dma_wait3A_87 = tpu.memref_slice %arg19[%run_scoped3A_65, %mul3A_2] : memref<16x1024xf32, #tpu.memory_space<hbm>> -> memref<1x32xf32, #tpu.memory_space<hbm>>
      %dma_wait3A_88 = tpu.memref_squeeze %dma_wait3A_87 : memref<1x32xf32, #tpu.memory_space<hbm>> -> memref<32xf32, #tpu.memory_space<hbm>>
      tpu.wait_dma2 semaphore(%run_scoped3A_80 : memref<!tpu.dma_semaphore, #tpu.memory_space<semaphore_mem>>) src(%arg22 : memref<32xf32, #tpu.memory_space<vmem>>) dst(%dma_wait3A_88 : memref<32xf32, #tpu.memory_space<hbm>>)
      tpu.yield
    }) : () -> ()
    %run_scoped3A_66 = arith.constant 2 : i32
    "tpu.region"() ({
      %run_scoped3A_80 = tpu.sem_alloc : memref<!tpu.dma_semaphore, #tpu.memory_space<semaphore_mem>>
      %dma_start3A_81 = tpu.memref_slice %arg19[%run_scoped3A_66, %mul3A_2] : memref<16x1024xf32, #tpu.memory_space<hbm>> -> memref<1x32xf32, #tpu.memory_space<hbm>>
      %dma_start3A_82 = tpu.memref_squeeze %dma_start3A_81 : memref<1x32xf32, #tpu.memory_space<hbm>> -> memref<32xf32, #tpu.memory_space<hbm>>
      %dma_start3A_83 = tpu.memref_slice %arg19[%run_scoped3A_66, %mul3A_2] : memref<16x1024xf32, #tpu.memory_space<hbm>> -> memref<1x32xf32, #tpu.memory_space<hbm>>
      %dma_start3A_84 = tpu.memref_squeeze %dma_start3A_83 : memref<1x32xf32, #tpu.memory_space<hbm>> -> memref<32xf32, #tpu.memory_space<hbm>>
      tpu.enqueue_dma source(%arg23 : memref<32xf32, #tpu.memory_space<vmem>>) target(%dma_start3A_84 : memref<32xf32, #tpu.memory_space<hbm>>) target_semaphore(%run_scoped3A_80 : memref<!tpu.dma_semaphore, #tpu.memory_space<semaphore_mem>>)
      %dma_wait3A_85 = tpu.memref_slice %arg19[%run_scoped3A_66, %mul3A_2] : memref<16x1024xf32, #tpu.memory_space<hbm>> -> memref<1x32xf32, #tpu.memory_space<hbm>>
      %dma_wait3A_86 = tpu.memref_squeeze %dma_wait3A_85 : memref<1x32xf32, #tpu.memory_space<hbm>> -> memref<32xf32, #tpu.memory_space<hbm>>
      %dma_wait3A_87 = tpu.memref_slice %arg19[%run_scoped3A_66, %mul3A_2] : memref<16x1024xf32, #tpu.memory_space<hbm>> -> memref<1x32xf32, #tpu.memory_space<hbm>>
      %dma_wait3A_88 = tpu.memref_squeeze %dma_wait3A_87 : memref<1x32xf32, #tpu.memory_space<hbm>> -> memref<32xf32, #tpu.memory_space<hbm>>
      tpu.wait_dma2 semaphore(%run_scoped3A_80 : memref<!tpu.dma_semaphore, #tpu.memory_space<semaphore_mem>>) src(%arg23 : memref<32xf32, #tpu.memory_space<vmem>>) dst(%dma_wait3A_88 : memref<32xf32, #tpu.memory_space<hbm>>)
      tpu.yield
    }) : () -> ()
    %run_scoped3A_67 = arith.constant 3 : i32
    "tpu.region"() ({
      %run_scoped3A_80 = tpu.sem_alloc : memref<!tpu.dma_semaphore, #tpu.memory_space<semaphore_mem>>
      %dma_start3A_81 = tpu.memref_slice %arg19[%run_scoped3A_67, %mul3A_2] : memref<16x1024xf32, #tpu.memory_space<hbm>> -> memref<1x32xf32, #tpu.memory_space<hbm>>
      %dma_start3A_82 = tpu.memref_squeeze %dma_start3A_81 : memref<1x32xf32, #tpu.memory_space<hbm>> -> memref<32xf32, #tpu.memory_space<hbm>>
      %dma_start3A_83 = tpu.memref_slice %arg19[%run_scoped3A_67, %mul3A_2] : memref<16x1024xf32, #tpu.memory_space<hbm>> -> memref<1x32xf32, #tpu.memory_space<hbm>>
      %dma_start3A_84 = tpu.memref_squeeze %dma_start3A_83 : memref<1x32xf32, #tpu.memory_space<hbm>> -> memref<32xf32, #tpu.memory_space<hbm>>
      tpu.enqueue_dma source(%arg24 : memref<32xf32, #tpu.memory_space<vmem>>) target(%dma_start3A_84 : memref<32xf32, #tpu.memory_space<hbm>>) target_semaphore(%run_scoped3A_80 : memref<!tpu.dma_semaphore, #tpu.memory_space<semaphore_mem>>)
      %dma_wait3A_85 = tpu.memref_slice %arg19[%run_scoped3A_67, %mul3A_2] : memref<16x1024xf32, #tpu.memory_space<hbm>> -> memref<1x32xf32, #tpu.memory_space<hbm>>
      %dma_wait3A_86 = tpu.memref_squeeze %dma_wait3A_85 : memref<1x32xf32, #tpu.memory_space<hbm>> -> memref<32xf32, #tpu.memory_space<hbm>>
      %dma_wait3A_87 = tpu.memref_slice %arg19[%run_scoped3A_67, %mul3A_2] : memref<16x1024xf32, #tpu.memory_space<hbm>> -> memref<1x32xf32, #tpu.memory_space<hbm>>
      %dma_wait3A_88 = tpu.memref_squeeze %dma_wait3A_87 : memref<1x32xf32, #tpu.memory_space<hbm>> -> memref<32xf32, #tpu.memory_space<hbm>>
      tpu.wait_dma2 semaphore(%run_scoped3A_80 : memref<!tpu.dma_semaphore, #tpu.memory_space<semaphore_mem>>) src(%arg24 : memref<32xf32, #tpu.memory_space<vmem>>) dst(%dma_wait3A_88 : memref<32xf32, #tpu.memory_space<hbm>>)
      tpu.yield
    }) : () -> ()
    %run_scoped3A_68 = arith.constant 4 : i32
    "tpu.region"() ({
      %run_scoped3A_80 = tpu.sem_alloc : memref<!tpu.dma_semaphore, #tpu.memory_space<semaphore_mem>>
      %dma_start3A_81 = tpu.memref_slice %arg19[%run_scoped3A_68, %mul3A_2] : memref<16x1024xf32, #tpu.memory_space<hbm>> -> memref<1x32xf32, #tpu.memory_space<hbm>>
      %dma_start3A_82 = tpu.memref_squeeze %dma_start3A_81 : memref<1x32xf32, #tpu.memory_space<hbm>> -> memref<32xf32, #tpu.memory_space<hbm>>
      %dma_start3A_83 = tpu.memref_slice %arg19[%run_scoped3A_68, %mul3A_2] : memref<16x1024xf32, #tpu.memory_space<hbm>> -> memref<1x32xf32, #tpu.memory_space<hbm>>
      %dma_start3A_84 = tpu.memref_squeeze %dma_start3A_83 : memref<1x32xf32, #tpu.memory_space<hbm>> -> memref<32xf32, #tpu.memory_space<hbm>>
      tpu.enqueue_dma source(%arg25 : memref<32xf32, #tpu.memory_space<vmem>>) target(%dma_start3A_84 : memref<32xf32, #tpu.memory_space<hbm>>) target_semaphore(%run_scoped3A_80 : memref<!tpu.dma_semaphore, #tpu.memory_space<semaphore_mem>>)
      %dma_wait3A_85 = tpu.memref_slice %arg19[%run_scoped3A_68, %mul3A_2] : memref<16x1024xf32, #tpu.memory_space<hbm>> -> memref<1x32xf32, #tpu.memory_space<hbm>>
      %dma_wait3A_86 = tpu.memref_squeeze %dma_wait3A_85 : memref<1x32xf32, #tpu.memory_space<hbm>> -> memref<32xf32, #tpu.memory_space<hbm>>
      %dma_wait3A_87 = tpu.memref_slice %arg19[%run_scoped3A_68, %mul3A_2] : memref<16x1024xf32, #tpu.memory_space<hbm>> -> memref<1x32xf32, #tpu.memory_space<hbm>>
      %dma_wait3A_88 = tpu.memref_squeeze %dma_wait3A_87 : memref<1x32xf32, #tpu.memory_space<hbm>> -> memref<32xf32, #tpu.memory_space<hbm>>
      tpu.wait_dma2 semaphore(%run_scoped3A_80 : memref<!tpu.dma_semaphore, #tpu.memory_space<semaphore_mem>>) src(%arg25 : memref<32xf32, #tpu.memory_space<vmem>>) dst(%dma_wait3A_88 : memref<32xf32, #tpu.memory_space<hbm>>)
      tpu.yield
    }) : () -> ()
    %run_scoped3A_69 = arith.constant 5 : i32
    "tpu.region"() ({
      %run_scoped3A_80 = tpu.sem_alloc : memref<!tpu.dma_semaphore, #tpu.memory_space<semaphore_mem>>
      %dma_start3A_81 = tpu.memref_slice %arg19[%run_scoped3A_69, %mul3A_2] : memref<16x1024xf32, #tpu.memory_space<hbm>> -> memref<1x32xf32, #tpu.memory_space<hbm>>
      %dma_start3A_82 = tpu.memref_squeeze %dma_start3A_81 : memref<1x32xf32, #tpu.memory_space<hbm>> -> memref<32xf32, #tpu.memory_space<hbm>>
      %dma_start3A_83 = tpu.memref_slice %arg19[%run_scoped3A_69, %mul3A_2] : memref<16x1024xf32, #tpu.memory_space<hbm>> -> memref<1x32xf32, #tpu.memory_space<hbm>>
      %dma_start3A_84 = tpu.memref_squeeze %dma_start3A_83 : memref<1x32xf32, #tpu.memory_space<hbm>> -> memref<32xf32, #tpu.memory_space<hbm>>
      tpu.enqueue_dma source(%arg26 : memref<32xf32, #tpu.memory_space<vmem>>) target(%dma_start3A_84 : memref<32xf32, #tpu.memory_space<hbm>>) target_semaphore(%run_scoped3A_80 : memref<!tpu.dma_semaphore, #tpu.memory_space<semaphore_mem>>)
      %dma_wait3A_85 = tpu.memref_slice %arg19[%run_scoped3A_69, %mul3A_2] : memref<16x1024xf32, #tpu.memory_space<hbm>> -> memref<1x32xf32, #tpu.memory_space<hbm>>
      %dma_wait3A_86 = tpu.memref_squeeze %dma_wait3A_85 : memref<1x32xf32, #tpu.memory_space<hbm>> -> memref<32xf32, #tpu.memory_space<hbm>>
      %dma_wait3A_87 = tpu.memref_slice %arg19[%run_scoped3A_69, %mul3A_2] : memref<16x1024xf32, #tpu.memory_space<hbm>> -> memref<1x32xf32, #tpu.memory_space<hbm>>
      %dma_wait3A_88 = tpu.memref_squeeze %dma_wait3A_87 : memref<1x32xf32, #tpu.memory_space<hbm>> -> memref<32xf32, #tpu.memory_space<hbm>>
      tpu.wait_dma2 semaphore(%run_scoped3A_80 : memref<!tpu.dma_semaphore, #tpu.memory_space<semaphore_mem>>) src(%arg26 : memref<32xf32, #tpu.memory_space<vmem>>) dst(%dma_wait3A_88 : memref<32xf32, #tpu.memory_space<hbm>>)
      tpu.yield
    }) : () -> ()
    %run_scoped3A_70 = arith.constant 6 : i32
    "tpu.region"() ({
      %run_scoped3A_80 = tpu.sem_alloc : memref<!tpu.dma_semaphore, #tpu.memory_space<semaphore_mem>>
      %dma_start3A_81 = tpu.memref_slice %arg19[%run_scoped3A_70, %mul3A_2] : memref<16x1024xf32, #tpu.memory_space<hbm>> -> memref<1x32xf32, #tpu.memory_space<hbm>>
      %dma_start3A_82 = tpu.memref_squeeze %dma_start3A_81 : memref<1x32xf32, #tpu.memory_space<hbm>> -> memref<32xf32, #tpu.memory_space<hbm>>
      %dma_start3A_83 = tpu.memref_slice %arg19[%run_scoped3A_70, %mul3A_2] : memref<16x1024xf32, #tpu.memory_space<hbm>> -> memref<1x32xf32, #tpu.memory_space<hbm>>
      %dma_start3A_84 = tpu.memref_squeeze %dma_start3A_83 : memref<1x32xf32, #tpu.memory_space<hbm>> -> memref<32xf32, #tpu.memory_space<hbm>>
      tpu.enqueue_dma source(%arg27 : memref<32xf32, #tpu.memory_space<vmem>>) target(%dma_start3A_84 : memref<32xf32, #tpu.memory_space<hbm>>) target_semaphore(%run_scoped3A_80 : memref<!tpu.dma_semaphore, #tpu.memory_space<semaphore_mem>>)
      %dma_wait3A_85 = tpu.memref_slice %arg19[%run_scoped3A_70, %mul3A_2] : memref<16x1024xf32, #tpu.memory_space<hbm>> -> memref<1x32xf32, #tpu.memory_space<hbm>>
      %dma_wait3A_86 = tpu.memref_squeeze %dma_wait3A_85 : memref<1x32xf32, #tpu.memory_space<hbm>> -> memref<32xf32, #tpu.memory_space<hbm>>
      %dma_wait3A_87 = tpu.memref_slice %arg19[%run_scoped3A_70, %mul3A_2] : memref<16x1024xf32, #tpu.memory_space<hbm>> -> memref<1x32xf32, #tpu.memory_space<hbm>>
      %dma_wait3A_88 = tpu.memref_squeeze %dma_wait3A_87 : memref<1x32xf32, #tpu.memory_space<hbm>> -> memref<32xf32, #tpu.memory_space<hbm>>
      tpu.wait_dma2 semaphore(%run_scoped3A_80 : memref<!tpu.dma_semaphore, #tpu.memory_space<semaphore_mem>>) src(%arg27 : memref<32xf32, #tpu.memory_space<vmem>>) dst(%dma_wait3A_88 : memref<32xf32, #tpu.memory_space<hbm>>)
      tpu.yield
    }) : () -> ()
    %run_scoped3A_71 = arith.constant 7 : i32
    "tpu.region"() ({
      %run_scoped3A_80 = tpu.sem_alloc : memref<!tpu.dma_semaphore, #tpu.memory_space<semaphore_mem>>
      %dma_start3A_81 = tpu.memref_slice %arg19[%run_scoped3A_71, %mul3A_2] : memref<16x1024xf32, #tpu.memory_space<hbm>> -> memref<1x32xf32, #tpu.memory_space<hbm>>
      %dma_start3A_82 = tpu.memref_squeeze %dma_start3A_81 : memref<1x32xf32, #tpu.memory_space<hbm>> -> memref<32xf32, #tpu.memory_space<hbm>>
      %dma_start3A_83 = tpu.memref_slice %arg19[%run_scoped3A_71, %mul3A_2] : memref<16x1024xf32, #tpu.memory_space<hbm>> -> memref<1x32xf32, #tpu.memory_space<hbm>>
      %dma_start3A_84 = tpu.memref_squeeze %dma_start3A_83 : memref<1x32xf32, #tpu.memory_space<hbm>> -> memref<32xf32, #tpu.memory_space<hbm>>
      tpu.enqueue_dma source(%arg28 : memref<32xf32, #tpu.memory_space<vmem>>) target(%dma_start3A_84 : memref<32xf32, #tpu.memory_space<hbm>>) target_semaphore(%run_scoped3A_80 : memref<!tpu.dma_semaphore, #tpu.memory_space<semaphore_mem>>)
      %dma_wait3A_85 = tpu.memref_slice %arg19[%run_scoped3A_71, %mul3A_2] : memref<16x1024xf32, #tpu.memory_space<hbm>> -> memref<1x32xf32, #tpu.memory_space<hbm>>
      %dma_wait3A_86 = tpu.memref_squeeze %dma_wait3A_85 : memref<1x32xf32, #tpu.memory_space<hbm>> -> memref<32xf32, #tpu.memory_space<hbm>>
      %dma_wait3A_87 = tpu.memref_slice %arg19[%run_scoped3A_71, %mul3A_2] : memref<16x1024xf32, #tpu.memory_space<hbm>> -> memref<1x32xf32, #tpu.memory_space<hbm>>
      %dma_wait3A_88 = tpu.memref_squeeze %dma_wait3A_87 : memref<1x32xf32, #tpu.memory_space<hbm>> -> memref<32xf32, #tpu.memory_space<hbm>>
      tpu.wait_dma2 semaphore(%run_scoped3A_80 : memref<!tpu.dma_semaphore, #tpu.memory_space<semaphore_mem>>) src(%arg28 : memref<32xf32, #tpu.memory_space<vmem>>) dst(%dma_wait3A_88 : memref<32xf32, #tpu.memory_space<hbm>>)
      tpu.yield
    }) : () -> ()
    %run_scoped3A_72 = arith.constant 8 : i32
    "tpu.region"() ({
      %run_scoped3A_80 = tpu.sem_alloc : memref<!tpu.dma_semaphore, #tpu.memory_space<semaphore_mem>>
      %dma_start3A_81 = tpu.memref_slice %arg19[%run_scoped3A_72, %mul3A_2] : memref<16x1024xf32, #tpu.memory_space<hbm>> -> memref<1x32xf32, #tpu.memory_space<hbm>>
      %dma_start3A_82 = tpu.memref_squeeze %dma_start3A_81 : memref<1x32xf32, #tpu.memory_space<hbm>> -> memref<32xf32, #tpu.memory_space<hbm>>
      %dma_start3A_83 = tpu.memref_slice %arg19[%run_scoped3A_72, %mul3A_2] : memref<16x1024xf32, #tpu.memory_space<hbm>> -> memref<1x32xf32, #tpu.memory_space<hbm>>
      %dma_start3A_84 = tpu.memref_squeeze %dma_start3A_83 : memref<1x32xf32, #tpu.memory_space<hbm>> -> memref<32xf32, #tpu.memory_space<hbm>>
      tpu.enqueue_dma source(%arg29 : memref<32xf32, #tpu.memory_space<vmem>>) target(%dma_start3A_84 : memref<32xf32, #tpu.memory_space<hbm>>) target_semaphore(%run_scoped3A_80 : memref<!tpu.dma_semaphore, #tpu.memory_space<semaphore_mem>>)
      %dma_wait3A_85 = tpu.memref_slice %arg19[%run_scoped3A_72, %mul3A_2] : memref<16x1024xf32, #tpu.memory_space<hbm>> -> memref<1x32xf32, #tpu.memory_space<hbm>>
      %dma_wait3A_86 = tpu.memref_squeeze %dma_wait3A_85 : memref<1x32xf32, #tpu.memory_space<hbm>> -> memref<32xf32, #tpu.memory_space<hbm>>
      %dma_wait3A_87 = tpu.memref_slice %arg19[%run_scoped3A_72, %mul3A_2] : memref<16x1024xf32, #tpu.memory_space<hbm>> -> memref<1x32xf32, #tpu.memory_space<hbm>>
      %dma_wait3A_88 = tpu.memref_squeeze %dma_wait3A_87 : memref<1x32xf32, #tpu.memory_space<hbm>> -> memref<32xf32, #tpu.memory_space<hbm>>
      tpu.wait_dma2 semaphore(%run_scoped3A_80 : memref<!tpu.dma_semaphore, #tpu.memory_space<semaphore_mem>>) src(%arg29 : memref<32xf32, #tpu.memory_space<vmem>>) dst(%dma_wait3A_88 : memref<32xf32, #tpu.memory_space<hbm>>)
      tpu.yield
    }) : () -> ()
    %run_scoped3A_73 = arith.constant 9 : i32
    "tpu.region"() ({
      %run_scoped3A_80 = tpu.sem_alloc : memref<!tpu.dma_semaphore, #tpu.memory_space<semaphore_mem>>
      %dma_start3A_81 = tpu.memref_slice %arg19[%run_scoped3A_73, %mul3A_2] : memref<16x1024xf32, #tpu.memory_space<hbm>> -> memref<1x32xf32, #tpu.memory_space<hbm>>
      %dma_start3A_82 = tpu.memref_squeeze %dma_start3A_81 : memref<1x32xf32, #tpu.memory_space<hbm>> -> memref<32xf32, #tpu.memory_space<hbm>>
      %dma_start3A_83 = tpu.memref_slice %arg19[%run_scoped3A_73, %mul3A_2] : memref<16x1024xf32, #tpu.memory_space<hbm>> -> memref<1x32xf32, #tpu.memory_space<hbm>>
      %dma_start3A_84 = tpu.memref_squeeze %dma_start3A_83 : memref<1x32xf32, #tpu.memory_space<hbm>> -> memref<32xf32, #tpu.memory_space<hbm>>
      tpu.enqueue_dma source(%arg30 : memref<32xf32, #tpu.memory_space<vmem>>) target(%dma_start3A_84 : memref<32xf32, #tpu.memory_space<hbm>>) target_semaphore(%run_scoped3A_80 : memref<!tpu.dma_semaphore, #tpu.memory_space<semaphore_mem>>)
      %dma_wait3A_85 = tpu.memref_slice %arg19[%run_scoped3A_73, %mul3A_2] : memref<16x1024xf32, #tpu.memory_space<hbm>> -> memref<1x32xf32, #tpu.memory_space<hbm>>
      %dma_wait3A_86 = tpu.memref_squeeze %dma_wait3A_85 : memref<1x32xf32, #tpu.memory_space<hbm>> -> memref<32xf32, #tpu.memory_space<hbm>>
      %dma_wait3A_87 = tpu.memref_slice %arg19[%run_scoped3A_73, %mul3A_2] : memref<16x1024xf32, #tpu.memory_space<hbm>> -> memref<1x32xf32, #tpu.memory_space<hbm>>
      %dma_wait3A_88 = tpu.memref_squeeze %dma_wait3A_87 : memref<1x32xf32, #tpu.memory_space<hbm>> -> memref<32xf32, #tpu.memory_space<hbm>>
      tpu.wait_dma2 semaphore(%run_scoped3A_80 : memref<!tpu.dma_semaphore, #tpu.memory_space<semaphore_mem>>) src(%arg30 : memref<32xf32, #tpu.memory_space<vmem>>) dst(%dma_wait3A_88 : memref<32xf32, #tpu.memory_space<hbm>>)
      tpu.yield
    }) : () -> ()
    %run_scoped3A_74 = arith.constant 10 : i32
    "tpu.region"() ({
      %run_scoped3A_80 = tpu.sem_alloc : memref<!tpu.dma_semaphore, #tpu.memory_space<semaphore_mem>>
      %dma_start3A_81 = tpu.memref_slice %arg19[%run_scoped3A_74, %mul3A_2] : memref<16x1024xf32, #tpu.memory_space<hbm>> -> memref<1x32xf32, #tpu.memory_space<hbm>>
      %dma_start3A_82 = tpu.memref_squeeze %dma_start3A_81 : memref<1x32xf32, #tpu.memory_space<hbm>> -> memref<32xf32, #tpu.memory_space<hbm>>
      %dma_start3A_83 = tpu.memref_slice %arg19[%run_scoped3A_74, %mul3A_2] : memref<16x1024xf32, #tpu.memory_space<hbm>> -> memref<1x32xf32, #tpu.memory_space<hbm>>
      %dma_start3A_84 = tpu.memref_squeeze %dma_start3A_83 : memref<1x32xf32, #tpu.memory_space<hbm>> -> memref<32xf32, #tpu.memory_space<hbm>>
      tpu.enqueue_dma source(%arg31 : memref<32xf32, #tpu.memory_space<vmem>>) target(%dma_start3A_84 : memref<32xf32, #tpu.memory_space<hbm>>) target_semaphore(%run_scoped3A_80 : memref<!tpu.dma_semaphore, #tpu.memory_space<semaphore_mem>>)
      %dma_wait3A_85 = tpu.memref_slice %arg19[%run_scoped3A_74, %mul3A_2] : memref<16x1024xf32, #tpu.memory_space<hbm>> -> memref<1x32xf32, #tpu.memory_space<hbm>>
      %dma_wait3A_86 = tpu.memref_squeeze %dma_wait3A_85 : memref<1x32xf32, #tpu.memory_space<hbm>> -> memref<32xf32, #tpu.memory_space<hbm>>
      %dma_wait3A_87 = tpu.memref_slice %arg19[%run_scoped3A_74, %mul3A_2] : memref<16x1024xf32, #tpu.memory_space<hbm>> -> memref<1x32xf32, #tpu.memory_space<hbm>>
      %dma_wait3A_88 = tpu.memref_squeeze %dma_wait3A_87 : memref<1x32xf32, #tpu.memory_space<hbm>> -> memref<32xf32, #tpu.memory_space<hbm>>
      tpu.wait_dma2 semaphore(%run_scoped3A_80 : memref<!tpu.dma_semaphore, #tpu.memory_space<semaphore_mem>>) src(%arg31 : memref<32xf32, #tpu.memory_space<vmem>>) dst(%dma_wait3A_88 : memref<32xf32, #tpu.memory_space<hbm>>)
      tpu.yield
    }) : () -> ()
    %run_scoped3A_75 = arith.constant 11 : i32
    "tpu.region"() ({
      %run_scoped3A_80 = tpu.sem_alloc : memref<!tpu.dma_semaphore, #tpu.memory_space<semaphore_mem>>
      %dma_start3A_81 = tpu.memref_slice %arg19[%run_scoped3A_75, %mul3A_2] : memref<16x1024xf32, #tpu.memory_space<hbm>> -> memref<1x32xf32, #tpu.memory_space<hbm>>
      %dma_start3A_82 = tpu.memref_squeeze %dma_start3A_81 : memref<1x32xf32, #tpu.memory_space<hbm>> -> memref<32xf32, #tpu.memory_space<hbm>>
      %dma_start3A_83 = tpu.memref_slice %arg19[%run_scoped3A_75, %mul3A_2] : memref<16x1024xf32, #tpu.memory_space<hbm>> -> memref<1x32xf32, #tpu.memory_space<hbm>>
      %dma_start3A_84 = tpu.memref_squeeze %dma_start3A_83 : memref<1x32xf32, #tpu.memory_space<hbm>> -> memref<32xf32, #tpu.memory_space<hbm>>
      tpu.enqueue_dma source(%arg32 : memref<32xf32, #tpu.memory_space<vmem>>) target(%dma_start3A_84 : memref<32xf32, #tpu.memory_space<hbm>>) target_semaphore(%run_scoped3A_80 : memref<!tpu.dma_semaphore, #tpu.memory_space<semaphore_mem>>)
      %dma_wait3A_85 = tpu.memref_slice %arg19[%run_scoped3A_75, %mul3A_2] : memref<16x1024xf32, #tpu.memory_space<hbm>> -> memref<1x32xf32, #tpu.memory_space<hbm>>
      %dma_wait3A_86 = tpu.memref_squeeze %dma_wait3A_85 : memref<1x32xf32, #tpu.memory_space<hbm>> -> memref<32xf32, #tpu.memory_space<hbm>>
      %dma_wait3A_87 = tpu.memref_slice %arg19[%run_scoped3A_75, %mul3A_2] : memref<16x1024xf32, #tpu.memory_space<hbm>> -> memref<1x32xf32, #tpu.memory_space<hbm>>
      %dma_wait3A_88 = tpu.memref_squeeze %dma_wait3A_87 : memref<1x32xf32, #tpu.memory_space<hbm>> -> memref<32xf32, #tpu.memory_space<hbm>>
      tpu.wait_dma2 semaphore(%run_scoped3A_80 : memref<!tpu.dma_semaphore, #tpu.memory_space<semaphore_mem>>) src(%arg32 : memref<32xf32, #tpu.memory_space<vmem>>) dst(%dma_wait3A_88 : memref<32xf32, #tpu.memory_space<hbm>>)
      tpu.yield
    }) : () -> ()
    %run_scoped3A_76 = arith.constant 12 : i32
    "tpu.region"() ({
      %run_scoped3A_80 = tpu.sem_alloc : memref<!tpu.dma_semaphore, #tpu.memory_space<semaphore_mem>>
      %dma_start3A_81 = tpu.memref_slice %arg19[%run_scoped3A_76, %mul3A_2] : memref<16x1024xf32, #tpu.memory_space<hbm>> -> memref<1x32xf32, #tpu.memory_space<hbm>>
      %dma_start3A_82 = tpu.memref_squeeze %dma_start3A_81 : memref<1x32xf32, #tpu.memory_space<hbm>> -> memref<32xf32, #tpu.memory_space<hbm>>
      %dma_start3A_83 = tpu.memref_slice %arg19[%run_scoped3A_76, %mul3A_2] : memref<16x1024xf32, #tpu.memory_space<hbm>> -> memref<1x32xf32, #tpu.memory_space<hbm>>
      %dma_start3A_84 = tpu.memref_squeeze %dma_start3A_83 : memref<1x32xf32, #tpu.memory_space<hbm>> -> memref<32xf32, #tpu.memory_space<hbm>>
      tpu.enqueue_dma source(%arg33 : memref<32xf32, #tpu.memory_space<vmem>>) target(%dma_start3A_84 : memref<32xf32, #tpu.memory_space<hbm>>) target_semaphore(%run_scoped3A_80 : memref<!tpu.dma_semaphore, #tpu.memory_space<semaphore_mem>>)
      %dma_wait3A_85 = tpu.memref_slice %arg19[%run_scoped3A_76, %mul3A_2] : memref<16x1024xf32, #tpu.memory_space<hbm>> -> memref<1x32xf32, #tpu.memory_space<hbm>>
      %dma_wait3A_86 = tpu.memref_squeeze %dma_wait3A_85 : memref<1x32xf32, #tpu.memory_space<hbm>> -> memref<32xf32, #tpu.memory_space<hbm>>
      %dma_wait3A_87 = tpu.memref_slice %arg19[%run_scoped3A_76, %mul3A_2] : memref<16x1024xf32, #tpu.memory_space<hbm>> -> memref<1x32xf32, #tpu.memory_space<hbm>>
      %dma_wait3A_88 = tpu.memref_squeeze %dma_wait3A_87 : memref<1x32xf32, #tpu.memory_space<hbm>> -> memref<32xf32, #tpu.memory_space<hbm>>
      tpu.wait_dma2 semaphore(%run_scoped3A_80 : memref<!tpu.dma_semaphore, #tpu.memory_space<semaphore_mem>>) src(%arg33 : memref<32xf32, #tpu.memory_space<vmem>>) dst(%dma_wait3A_88 : memref<32xf32, #tpu.memory_space<hbm>>)
      tpu.yield
    }) : () -> ()
    %run_scoped3A_77 = arith.constant 13 : i32
    "tpu.region"() ({
      %run_scoped3A_80 = tpu.sem_alloc : memref<!tpu.dma_semaphore, #tpu.memory_space<semaphore_mem>>
      %dma_start3A_81 = tpu.memref_slice %arg19[%run_scoped3A_77, %mul3A_2] : memref<16x1024xf32, #tpu.memory_space<hbm>> -> memref<1x32xf32, #tpu.memory_space<hbm>>
      %dma_start3A_82 = tpu.memref_squeeze %dma_start3A_81 : memref<1x32xf32, #tpu.memory_space<hbm>> -> memref<32xf32, #tpu.memory_space<hbm>>
      %dma_start3A_83 = tpu.memref_slice %arg19[%run_scoped3A_77, %mul3A_2] : memref<16x1024xf32, #tpu.memory_space<hbm>> -> memref<1x32xf32, #tpu.memory_space<hbm>>
      %dma_start3A_84 = tpu.memref_squeeze %dma_start3A_83 : memref<1x32xf32, #tpu.memory_space<hbm>> -> memref<32xf32, #tpu.memory_space<hbm>>
      tpu.enqueue_dma source(%arg34 : memref<32xf32, #tpu.memory_space<vmem>>) target(%dma_start3A_84 : memref<32xf32, #tpu.memory_space<hbm>>) target_semaphore(%run_scoped3A_80 : memref<!tpu.dma_semaphore, #tpu.memory_space<semaphore_mem>>)
      %dma_wait3A_85 = tpu.memref_slice %arg19[%run_scoped3A_77, %mul3A_2] : memref<16x1024xf32, #tpu.memory_space<hbm>> -> memref<1x32xf32, #tpu.memory_space<hbm>>
      %dma_wait3A_86 = tpu.memref_squeeze %dma_wait3A_85 : memref<1x32xf32, #tpu.memory_space<hbm>> -> memref<32xf32, #tpu.memory_space<hbm>>
      %dma_wait3A_87 = tpu.memref_slice %arg19[%run_scoped3A_77, %mul3A_2] : memref<16x1024xf32, #tpu.memory_space<hbm>> -> memref<1x32xf32, #tpu.memory_space<hbm>>
      %dma_wait3A_88 = tpu.memref_squeeze %dma_wait3A_87 : memref<1x32xf32, #tpu.memory_space<hbm>> -> memref<32xf32, #tpu.memory_space<hbm>>
      tpu.wait_dma2 semaphore(%run_scoped3A_80 : memref<!tpu.dma_semaphore, #tpu.memory_space<semaphore_mem>>) src(%arg34 : memref<32xf32, #tpu.memory_space<vmem>>) dst(%dma_wait3A_88 : memref<32xf32, #tpu.memory_space<hbm>>)
      tpu.yield
    }) : () -> ()
    %run_scoped3A_78 = arith.constant 14 : i32
    "tpu.region"() ({
      %run_scoped3A_80 = tpu.sem_alloc : memref<!tpu.dma_semaphore, #tpu.memory_space<semaphore_mem>>
      %dma_start3A_81 = tpu.memref_slice %arg19[%run_scoped3A_78, %mul3A_2] : memref<16x1024xf32, #tpu.memory_space<hbm>> -> memref<1x32xf32, #tpu.memory_space<hbm>>
      %dma_start3A_82 = tpu.memref_squeeze %dma_start3A_81 : memref<1x32xf32, #tpu.memory_space<hbm>> -> memref<32xf32, #tpu.memory_space<hbm>>
      %dma_start3A_83 = tpu.memref_slice %arg19[%run_scoped3A_78, %mul3A_2] : memref<16x1024xf32, #tpu.memory_space<hbm>> -> memref<1x32xf32, #tpu.memory_space<hbm>>
      %dma_start3A_84 = tpu.memref_squeeze %dma_start3A_83 : memref<1x32xf32, #tpu.memory_space<hbm>> -> memref<32xf32, #tpu.memory_space<hbm>>
      tpu.enqueue_dma source(%arg35 : memref<32xf32, #tpu.memory_space<vmem>>) target(%dma_start3A_84 : memref<32xf32, #tpu.memory_space<hbm>>) target_semaphore(%run_scoped3A_80 : memref<!tpu.dma_semaphore, #tpu.memory_space<semaphore_mem>>)
      %dma_wait3A_85 = tpu.memref_slice %arg19[%run_scoped3A_78, %mul3A_2] : memref<16x1024xf32, #tpu.memory_space<hbm>> -> memref<1x32xf32, #tpu.memory_space<hbm>>
      %dma_wait3A_86 = tpu.memref_squeeze %dma_wait3A_85 : memref<1x32xf32, #tpu.memory_space<hbm>> -> memref<32xf32, #tpu.memory_space<hbm>>
      %dma_wait3A_87 = tpu.memref_slice %arg19[%run_scoped3A_78, %mul3A_2] : memref<16x1024xf32, #tpu.memory_space<hbm>> -> memref<1x32xf32, #tpu.memory_space<hbm>>
      %dma_wait3A_88 = tpu.memref_squeeze %dma_wait3A_87 : memref<1x32xf32, #tpu.memory_space<hbm>> -> memref<32xf32, #tpu.memory_space<hbm>>
      tpu.wait_dma2 semaphore(%run_scoped3A_80 : memref<!tpu.dma_semaphore, #tpu.memory_space<semaphore_mem>>) src(%arg35 : memref<32xf32, #tpu.memory_space<vmem>>) dst(%dma_wait3A_88 : memref<32xf32, #tpu.memory_space<hbm>>)
      tpu.yield
    }) : () -> ()
    %run_scoped3A_79 = arith.constant 15 : i32
    "tpu.region"() ({
      %run_scoped3A_80 = tpu.sem_alloc : memref<!tpu.dma_semaphore, #tpu.memory_space<semaphore_mem>>
      %dma_start3A_81 = tpu.memref_slice %arg19[%run_scoped3A_79, %mul3A_2] : memref<16x1024xf32, #tpu.memory_space<hbm>> -> memref<1x32xf32, #tpu.memory_space<hbm>>
      %dma_start3A_82 = tpu.memref_squeeze %dma_start3A_81 : memref<1x32xf32, #tpu.memory_space<hbm>> -> memref<32xf32, #tpu.memory_space<hbm>>
      %dma_start3A_83 = tpu.memref_slice %arg19[%run_scoped3A_79, %mul3A_2] : memref<16x1024xf32, #tpu.memory_space<hbm>> -> memref<1x32xf32, #tpu.memory_space<hbm>>
      %dma_start3A_84 = tpu.memref_squeeze %dma_start3A_83 : memref<1x32xf32, #tpu.memory_space<hbm>> -> memref<32xf32, #tpu.memory_space<hbm>>
      tpu.enqueue_dma source(%arg36 : memref<32xf32, #tpu.memory_space<vmem>>) target(%dma_start3A_84 : memref<32xf32, #tpu.memory_space<hbm>>) target_semaphore(%run_scoped3A_80 : memref<!tpu.dma_semaphore, #tpu.memory_space<semaphore_mem>>)
      %dma_wait3A_85 = tpu.memref_slice %arg19[%run_scoped3A_79, %mul3A_2] : memref<16x1024xf32, #tpu.memory_space<hbm>> -> memref<1x32xf32, #tpu.memory_space<hbm>>
      %dma_wait3A_86 = tpu.memref_squeeze %dma_wait3A_85 : memref<1x32xf32, #tpu.memory_space<hbm>> -> memref<32xf32, #tpu.memory_space<hbm>>
      %dma_wait3A_87 = tpu.memref_slice %arg19[%run_scoped3A_79, %mul3A_2] : memref<16x1024xf32, #tpu.memory_space<hbm>> -> memref<1x32xf32, #tpu.memory_space<hbm>>
      %dma_wait3A_88 = tpu.memref_squeeze %dma_wait3A_87 : memref<1x32xf32, #tpu.memory_space<hbm>> -> memref<32xf32, #tpu.memory_space<hbm>>
      tpu.wait_dma2 semaphore(%run_scoped3A_80 : memref<!tpu.dma_semaphore, #tpu.memory_space<semaphore_mem>>) src(%arg36 : memref<32xf32, #tpu.memory_space<vmem>>) dst(%dma_wait3A_88 : memref<32xf32, #tpu.memory_space<hbm>>)
      tpu.yield
    }) : () -> ()
    return
  }
}

module attributes {stable_mosaic.version = 14 : i64} {
  func.func @body(%arg0: i32, %arg1: memref<16x25600xf32, #tpu.memory_space<vmem>>, %arg2: memref<25600xf32, #tpu.memory_space<vmem>>, %arg3: memref<25600xf32, #tpu.memory_space<vmem>>, %arg4: memref<25600xf32, #tpu.memory_space<vmem>>, %arg5: memref<25600xf32, #tpu.memory_space<vmem>>, %arg6: memref<25600xf32, #tpu.memory_space<vmem>>, %arg7: memref<25600xf32, #tpu.memory_space<vmem>>, %arg8: memref<25600xf32, #tpu.memory_space<vmem>>, %arg9: memref<25600xf32, #tpu.memory_space<vmem>>, %arg10: memref<25600xf32, #tpu.memory_space<vmem>>, %arg11: memref<25600xf32, #tpu.memory_space<vmem>>, %arg12: memref<25600xf32, #tpu.memory_space<vmem>>, %arg13: memref<25600xf32, #tpu.memory_space<vmem>>, %arg14: memref<25600xf32, #tpu.memory_space<vmem>>, %arg15: memref<25600xf32, #tpu.memory_space<vmem>>, %arg16: memref<25600xf32, #tpu.memory_space<vmem>>, %arg17: memref<25600xf32, #tpu.memory_space<vmem>>) attributes {dimension_semantics = [#tpu.dimension_semantics<arbitrary>], iteration_bounds = array<i64: 4>, scalar_prefetch = 0 : i64, scratch_operands = 0 : i64, tpu.core_type = #tpu.core_type<tc>, window_params = [{transform_indices = @transform_0, window_bounds = array<i64: 16, 25600>}, {transform_indices = @transform_1, window_bounds = array<i64: 25600>}, {transform_indices = @transform_2, window_bounds = array<i64: 25600>}, {transform_indices = @transform_3, window_bounds = array<i64: 25600>}, {transform_indices = @transform_4, window_bounds = array<i64: 25600>}, {transform_indices = @transform_5, window_bounds = array<i64: 25600>}, {transform_indices = @transform_6, window_bounds = array<i64: 25600>}, {transform_indices = @transform_7, window_bounds = array<i64: 25600>}, {transform_indices = @transform_8, window_bounds = array<i64: 25600>}, {transform_indices = @transform_9, window_bounds = array<i64: 25600>}, {transform_indices = @transform_10, window_bounds = array<i64: 25600>}, {transform_indices = @transform_11, window_bounds = array<i64: 25600>}, {transform_indices = @transform_12, window_bounds = array<i64: 25600>}, {transform_indices = @transform_13, window_bounds = array<i64: 25600>}, {transform_indices = @transform_14, window_bounds = array<i64: 25600>}, {transform_indices = @transform_15, window_bounds = array<i64: 25600>}, {transform_indices = @transform_16, window_bounds = array<i64: 25600>}]} {
    %get3A = arith.constant 0 : index
    %get3A_0 = arith.constant 0 : index
    %get3A_1 = vector.load %arg1[%get3A, %get3A_0] : memref<16x25600xf32, #tpu.memory_space<vmem>>, vector<1x25600xf32>
    %get3A_2 = vector.shape_cast %get3A_1 : vector<1x25600xf32> to vector<25600xf32>
    %swap3A = arith.constant 0 : index
    %swap3A_3 = vector.load %arg2[%swap3A] : memref<25600xf32, #tpu.memory_space<vmem>>, vector<25600xf32>
    tpu.vector_store %arg2[%swap3A], %get3A_2 {strides = array<i32>} : memref<25600xf32, #tpu.memory_space<vmem>>, vector<25600xf32>,
    %get3A_4 = arith.constant 1 : index
    %get3A_5 = arith.constant 0 : index
    %get3A_6 = vector.load %arg1[%get3A_4, %get3A_5] : memref<16x25600xf32, #tpu.memory_space<vmem>>, vector<1x25600xf32>
    %get3A_7 = vector.shape_cast %get3A_6 : vector<1x25600xf32> to vector<25600xf32>
    %swap3A_8 = arith.constant 0 : index
    %swap3A_9 = vector.load %arg3[%swap3A_8] : memref<25600xf32, #tpu.memory_space<vmem>>, vector<25600xf32>
    tpu.vector_store %arg3[%swap3A_8], %get3A_7 {strides = array<i32>} : memref<25600xf32, #tpu.memory_space<vmem>>, vector<25600xf32>,
    %get3A_10 = arith.constant 2 : index
    %get3A_11 = arith.constant 0 : index
    %get3A_12 = vector.load %arg1[%get3A_10, %get3A_11] : memref<16x25600xf32, #tpu.memory_space<vmem>>, vector<1x25600xf32>
    %get3A_13 = vector.shape_cast %get3A_12 : vector<1x25600xf32> to vector<25600xf32>
    %swap3A_14 = arith.constant 0 : index
    %swap3A_15 = vector.load %arg4[%swap3A_14] : memref<25600xf32, #tpu.memory_space<vmem>>, vector<25600xf32>
    tpu.vector_store %arg4[%swap3A_14], %get3A_13 {strides = array<i32>} : memref<25600xf32, #tpu.memory_space<vmem>>, vector<25600xf32>,
    %get3A_16 = arith.constant 3 : index
    %get3A_17 = arith.constant 0 : index
    %get3A_18 = vector.load %arg1[%get3A_16, %get3A_17] : memref<16x25600xf32, #tpu.memory_space<vmem>>, vector<1x25600xf32>
    %get3A_19 = vector.shape_cast %get3A_18 : vector<1x25600xf32> to vector<25600xf32>
    %swap3A_20 = arith.constant 0 : index
    %swap3A_21 = vector.load %arg5[%swap3A_20] : memref<25600xf32, #tpu.memory_space<vmem>>, vector<25600xf32>
    tpu.vector_store %arg5[%swap3A_20], %get3A_19 {strides = array<i32>} : memref<25600xf32, #tpu.memory_space<vmem>>, vector<25600xf32>,
    %get3A_22 = arith.constant 4 : index
    %get3A_23 = arith.constant 0 : index
    %get3A_24 = vector.load %arg1[%get3A_22, %get3A_23] : memref<16x25600xf32, #tpu.memory_space<vmem>>, vector<1x25600xf32>
    %get3A_25 = vector.shape_cast %get3A_24 : vector<1x25600xf32> to vector<25600xf32>
    %swap3A_26 = arith.constant 0 : index
    %swap3A_27 = vector.load %arg6[%swap3A_26] : memref<25600xf32, #tpu.memory_space<vmem>>, vector<25600xf32>
    tpu.vector_store %arg6[%swap3A_26], %get3A_25 {strides = array<i32>} : memref<25600xf32, #tpu.memory_space<vmem>>, vector<25600xf32>,
    %get3A_28 = arith.constant 5 : index
    %get3A_29 = arith.constant 0 : index
    %get3A_30 = vector.load %arg1[%get3A_28, %get3A_29] : memref<16x25600xf32, #tpu.memory_space<vmem>>, vector<1x25600xf32>
    %get3A_31 = vector.shape_cast %get3A_30 : vector<1x25600xf32> to vector<25600xf32>
    %swap3A_32 = arith.constant 0 : index
    %swap3A_33 = vector.load %arg7[%swap3A_32] : memref<25600xf32, #tpu.memory_space<vmem>>, vector<25600xf32>
    tpu.vector_store %arg7[%swap3A_32], %get3A_31 {strides = array<i32>} : memref<25600xf32, #tpu.memory_space<vmem>>, vector<25600xf32>,
    %get3A_34 = arith.constant 6 : index
    %get3A_35 = arith.constant 0 : index
    %get3A_36 = vector.load %arg1[%get3A_34, %get3A_35] : memref<16x25600xf32, #tpu.memory_space<vmem>>, vector<1x25600xf32>
    %get3A_37 = vector.shape_cast %get3A_36 : vector<1x25600xf32> to vector<25600xf32>
    %swap3A_38 = arith.constant 0 : index
    %swap3A_39 = vector.load %arg8[%swap3A_38] : memref<25600xf32, #tpu.memory_space<vmem>>, vector<25600xf32>
    tpu.vector_store %arg8[%swap3A_38], %get3A_37 {strides = array<i32>} : memref<25600xf32, #tpu.memory_space<vmem>>, vector<25600xf32>,
    %get3A_40 = arith.constant 7 : index
    %get3A_41 = arith.constant 0 : index
    %get3A_42 = vector.load %arg1[%get3A_40, %get3A_41] : memref<16x25600xf32, #tpu.memory_space<vmem>>, vector<1x25600xf32>
    %get3A_43 = vector.shape_cast %get3A_42 : vector<1x25600xf32> to vector<25600xf32>
    %swap3A_44 = arith.constant 0 : index
    %swap3A_45 = vector.load %arg9[%swap3A_44] : memref<25600xf32, #tpu.memory_space<vmem>>, vector<25600xf32>
    tpu.vector_store %arg9[%swap3A_44], %get3A_43 {strides = array<i32>} : memref<25600xf32, #tpu.memory_space<vmem>>, vector<25600xf32>,
    %get3A_46 = arith.constant 8 : index
    %get3A_47 = arith.constant 0 : index
    %get3A_48 = vector.load %arg1[%get3A_46, %get3A_47] : memref<16x25600xf32, #tpu.memory_space<vmem>>, vector<1x25600xf32>
    %get3A_49 = vector.shape_cast %get3A_48 : vector<1x25600xf32> to vector<25600xf32>
    %swap3A_50 = arith.constant 0 : index
    %swap3A_51 = vector.load %arg10[%swap3A_50] : memref<25600xf32, #tpu.memory_space<vmem>>, vector<25600xf32>
    tpu.vector_store %arg10[%swap3A_50], %get3A_49 {strides = array<i32>} : memref<25600xf32, #tpu.memory_space<vmem>>, vector<25600xf32>,
    %get3A_52 = arith.constant 9 : index
    %get3A_53 = arith.constant 0 : index
    %get3A_54 = vector.load %arg1[%get3A_52, %get3A_53] : memref<16x25600xf32, #tpu.memory_space<vmem>>, vector<1x25600xf32>
    %get3A_55 = vector.shape_cast %get3A_54 : vector<1x25600xf32> to vector<25600xf32>
    %swap3A_56 = arith.constant 0 : index
    %swap3A_57 = vector.load %arg11[%swap3A_56] : memref<25600xf32, #tpu.memory_space<vmem>>, vector<25600xf32>
    tpu.vector_store %arg11[%swap3A_56], %get3A_55 {strides = array<i32>} : memref<25600xf32, #tpu.memory_space<vmem>>, vector<25600xf32>,
    %get3A_58 = arith.constant 10 : index
    %get3A_59 = arith.constant 0 : index
    %get3A_60 = vector.load %arg1[%get3A_58, %get3A_59] : memref<16x25600xf32, #tpu.memory_space<vmem>>, vector<1x25600xf32>
    %get3A_61 = vector.shape_cast %get3A_60 : vector<1x25600xf32> to vector<25600xf32>
    %swap3A_62 = arith.constant 0 : index
    %swap3A_63 = vector.load %arg12[%swap3A_62] : memref<25600xf32, #tpu.memory_space<vmem>>, vector<25600xf32>
    tpu.vector_store %arg12[%swap3A_62], %get3A_61 {strides = array<i32>} : memref<25600xf32, #tpu.memory_space<vmem>>, vector<25600xf32>,
    %get3A_64 = arith.constant 11 : index
    %get3A_65 = arith.constant 0 : index
    %get3A_66 = vector.load %arg1[%get3A_64, %get3A_65] : memref<16x25600xf32, #tpu.memory_space<vmem>>, vector<1x25600xf32>
    %get3A_67 = vector.shape_cast %get3A_66 : vector<1x25600xf32> to vector<25600xf32>
    %swap3A_68 = arith.constant 0 : index
    %swap3A_69 = vector.load %arg13[%swap3A_68] : memref<25600xf32, #tpu.memory_space<vmem>>, vector<25600xf32>
    tpu.vector_store %arg13[%swap3A_68], %get3A_67 {strides = array<i32>} : memref<25600xf32, #tpu.memory_space<vmem>>, vector<25600xf32>,
    %get3A_70 = arith.constant 12 : index
    %get3A_71 = arith.constant 0 : index
    %get3A_72 = vector.load %arg1[%get3A_70, %get3A_71] : memref<16x25600xf32, #tpu.memory_space<vmem>>, vector<1x25600xf32>
    %get3A_73 = vector.shape_cast %get3A_72 : vector<1x25600xf32> to vector<25600xf32>
    %swap3A_74 = arith.constant 0 : index
    %swap3A_75 = vector.load %arg14[%swap3A_74] : memref<25600xf32, #tpu.memory_space<vmem>>, vector<25600xf32>
    tpu.vector_store %arg14[%swap3A_74], %get3A_73 {strides = array<i32>} : memref<25600xf32, #tpu.memory_space<vmem>>, vector<25600xf32>,
    %get3A_76 = arith.constant 13 : index
    %get3A_77 = arith.constant 0 : index
    %get3A_78 = vector.load %arg1[%get3A_76, %get3A_77] : memref<16x25600xf32, #tpu.memory_space<vmem>>, vector<1x25600xf32>
    %get3A_79 = vector.shape_cast %get3A_78 : vector<1x25600xf32> to vector<25600xf32>
    %swap3A_80 = arith.constant 0 : index
    %swap3A_81 = vector.load %arg15[%swap3A_80] : memref<25600xf32, #tpu.memory_space<vmem>>, vector<25600xf32>
    tpu.vector_store %arg15[%swap3A_80], %get3A_79 {strides = array<i32>} : memref<25600xf32, #tpu.memory_space<vmem>>, vector<25600xf32>,
    %get3A_82 = arith.constant 14 : index
    %get3A_83 = arith.constant 0 : index
    %get3A_84 = vector.load %arg1[%get3A_82, %get3A_83] : memref<16x25600xf32, #tpu.memory_space<vmem>>, vector<1x25600xf32>
    %get3A_85 = vector.shape_cast %get3A_84 : vector<1x25600xf32> to vector<25600xf32>
    %swap3A_86 = arith.constant 0 : index
    %swap3A_87 = vector.load %arg16[%swap3A_86] : memref<25600xf32, #tpu.memory_space<vmem>>, vector<25600xf32>
    tpu.vector_store %arg16[%swap3A_86], %get3A_85 {strides = array<i32>} : memref<25600xf32, #tpu.memory_space<vmem>>, vector<25600xf32>,
    %get3A_88 = arith.constant 15 : index
    %get3A_89 = arith.constant 0 : index
    %get3A_90 = vector.load %arg1[%get3A_88, %get3A_89] : memref<16x25600xf32, #tpu.memory_space<vmem>>, vector<1x25600xf32>
    %get3A_91 = vector.shape_cast %get3A_90 : vector<1x25600xf32> to vector<25600xf32>
    %swap3A_92 = arith.constant 0 : index
    %swap3A_93 = vector.load %arg17[%swap3A_92] : memref<25600xf32, #tpu.memory_space<vmem>>, vector<25600xf32>
    tpu.vector_store %arg17[%swap3A_92], %get3A_91 {strides = array<i32>} : memref<25600xf32, #tpu.memory_space<vmem>>, vector<25600xf32>,
    return
  }
  func.func @transform_0(%arg0: i32) -> (i32, i32) {
    %c0_i32 = arith.constant 0 : i32
    %c0_i32_0 = arith.constant 0 : i32
    return %c0_i32, %arg0 : i32, i32
  }
  func.func @transform_1(%arg0: i32) -> i32 {
    %c0_i32 = arith.constant 0 : i32
    return %arg0 : i32
  }
  func.func @transform_2(%arg0: i32) -> i32 {
    %c0_i32 = arith.constant 0 : i32
    return %arg0 : i32
  }
  func.func @transform_3(%arg0: i32) -> i32 {
    %c0_i32 = arith.constant 0 : i32
    return %arg0 : i32
  }
  func.func @transform_4(%arg0: i32) -> i32 {
    %c0_i32 = arith.constant 0 : i32
    return %arg0 : i32
  }
  func.func @transform_5(%arg0: i32) -> i32 {
    %c0_i32 = arith.constant 0 : i32
    return %arg0 : i32
  }
  func.func @transform_6(%arg0: i32) -> i32 {
    %c0_i32 = arith.constant 0 : i32
    return %arg0 : i32
  }
  func.func @transform_7(%arg0: i32) -> i32 {
    %c0_i32 = arith.constant 0 : i32
    return %arg0 : i32
  }
  func.func @transform_8(%arg0: i32) -> i32 {
    %c0_i32 = arith.constant 0 : i32
    return %arg0 : i32
  }
  func.func @transform_9(%arg0: i32) -> i32 {
    %c0_i32 = arith.constant 0 : i32
    return %arg0 : i32
  }
  func.func @transform_10(%arg0: i32) -> i32 {
    %c0_i32 = arith.constant 0 : i32
    return %arg0 : i32
  }
  func.func @transform_11(%arg0: i32) -> i32 {
    %c0_i32 = arith.constant 0 : i32
    return %arg0 : i32
  }
  func.func @transform_12(%arg0: i32) -> i32 {
    %c0_i32 = arith.constant 0 : i32
    return %arg0 : i32
  }
  func.func @transform_13(%arg0: i32) -> i32 {
    %c0_i32 = arith.constant 0 : i32
    return %arg0 : i32
  }
  func.func @transform_14(%arg0: i32) -> i32 {
    %c0_i32 = arith.constant 0 : i32
    return %arg0 : i32
  }
  func.func @transform_15(%arg0: i32) -> i32 {
    %c0_i32 = arith.constant 0 : i32
    return %arg0 : i32
  }
  func.func @transform_16(%arg0: i32) -> i32 {
    %c0_i32 = arith.constant 0 : i32
    return %arg0 : i32
  }
}

module attributes {stable_mosaic.version = 14 : i64} {
  func.func @_proj_body(%arg0: i32, %arg1: memref<17x3200xf32, #tpu.memory_space<vmem>>, %arg2: memref<17x1024xf32, #tpu.memory_space<vmem>>, %arg3: memref<3200x1024xf32, #tpu.memory_space<vmem>>) attributes {dimension_semantics = [#tpu.dimension_semantics<arbitrary>], iteration_bounds = array<i64: 32>, scalar_prefetch = 0 : i64, scratch_operands = 0 : i64, tpu.core_type = #tpu.core_type<tc>, window_params = [{transform_indices = @transform_0, window_bounds = array<i64: 17, 3200>}, {pipeline_mode = #tpu.pipeline_mode<synchronous>, transform_indices = @transform_1, window_bounds = array<i64: 17, 1024>}, {transform_indices = @transform_2, window_bounds = array<i64: 3200, 1024>}]} {
    %get3A = arith.constant 0 : index
    %get3A_0 = arith.constant 0 : index
    %get3A_1 = vector.load %arg1[%get3A, %get3A_0] : memref<17x3200xf32, #tpu.memory_space<vmem>>, vector<17x3200xf32>
    %get3A_2 = arith.constant 0 : index
    %get3A_3 = arith.constant 0 : index
    %get3A_4 = vector.load %arg2[%get3A_2, %get3A_3] : memref<17x1024xf32, #tpu.memory_space<vmem>>, vector<17x1024xf32>
    %dot_general3A = arith.constant dense<0.000000e+00> : vector<3200x1024xf32>
    %dot_general3A_5 = tpu.matmul %get3A_1, %get3A_4, %dot_general3A {dimension_numbers = #tpu.dot_dimension_numbers<[0], [0], [1], [1], [0, 1, 1, 1], [], []>, transpose_lhs_hint = false} : vector<17x3200xf32>, vector<17x1024xf32>, vector<3200x1024xf32> -> vector<3200x1024xf32>
    %swap3A = arith.constant 0 : index
    %swap3A_6 = arith.constant 0 : index
    %swap3A_7 = vector.load %arg3[%swap3A, %swap3A_6] : memref<3200x1024xf32, #tpu.memory_space<vmem>>, vector<3200x1024xf32>
    tpu.vector_store %arg3[%swap3A, %swap3A_6], %dot_general3A_5 {strides = array<i32>} : memref<3200x1024xf32, #tpu.memory_space<vmem>>, vector<3200x1024xf32>,
    return
  }
  func.func @transform_0(%arg0: i32) -> (i32, i32) {
    %c0_i32 = arith.constant 0 : i32
    %c0_i32_0 = arith.constant 0 : i32
    return %c0_i32, %arg0 : i32, i32
  }
  func.func @transform_1(%arg0: i32) -> (i32, i32) {
    %c0_i32 = arith.constant 0 : i32
    %c0_i32_0 = arith.constant 0 : i32
    %c0_i32_1 = arith.constant 0 : i32
    return %c0_i32, %c0_i32_0 : i32, i32
  }
  func.func @transform_2(%arg0: i32) -> (i32, i32) {
    %c0_i32 = arith.constant 0 : i32
    %c0_i32_0 = arith.constant 0 : i32
    return %arg0, %c0_i32 : i32, i32
  }
}

</mosaic_0001>

<sc_bundles>
// kernel: kernel.5.cloned.1.call-start
scs
__scs_entry_jumppad:
0x0: {  	(pc) =	sbr.rel $0x88, $3  }
0x1: {  	(tag) =	ssettag $0x0;
	lr =	simm.s32 $0x1  }
0x2: {  	[smem:$0x3F9D] =	sst lr;
	_ =	strace $0xD0000000  }
0x3: {  	_ = 	snop  }
0x4: {  	_ = 	snop  }
0x5: {  	_ = 	snop  }
0x6: {  	_ = 	snop  }
0x7: {  	_ = 	snop  }
__scs_overlays_trampoline_lowered:
0x8: {  	[smem:$0x3FAC] =	sst s0  }
0x9: {  	[smem:$0x3FAD] =	sst s1  }
0xa: {  	[smem:$0x3FAE] =	sst s2  }
0xb: {  	[smem:$0x3FAF] =	sst s3  }
0xc: {  	[smem:$0x3FB0] =	sst s4  }
0xd: {  	[smem:$0x3FB1] =	sst s5  }
0xe: {  	[smem:$0x3FB2] =	sst s6  }
0xf: {  	[smem:$0x3FB3] =	sst s7  }
0x10: {  	[smem:$0x3FB4] =	sst s8  }
0x11: {  	[smem:$0x3FB5] =	sst s9;
	s0 =	simm.s32 @!p0 $0x0  }
0x12: {  	s1 =	sld [smem:$0x3F9B];
	s0 =	simm.s32 @p0 $0x1  }
0x13: {  	[smem:$0x3FB6] =	sst s0;
	s0 =	simm.s32 @!p1 $0x0  }
0x14: {  	s2 =	sld [smem:$0x3F9A];
	s0 =	simm.s32 @p1 $0x1  }
0x15: {  	[smem:$0x3FB7] =	sst s0;
	s0 =	simm.s32 @!p2 $0x0  }
0x16: {  	s3 =	sld [smem:$0x3FDB];
	s0 =	simm.s32 @p2 $0x1  }
0x17: {  	s4 =	simm.s32 $0x1BF5;
	[smem:$0x3FB9] =	sst s0  }
0x18: {  	s0 =	sld [smem:$0x3F9C];
	_ =	swait.ge [sflag:s4], $0x0  }
0x19: {  	s7 =	sld [smem:$0x3F9D]  }
0x1a: {  	s8 =	sadd.s32 $0xFFFFE003, lr  }
0x1b: {  	s9 =	sadd.s32 $0xFFFFFEF7, lr;
	s5 =	simm.s32 $0xFFFFFFFF;
	p2 =	slt.u32 s8, $0xFFFFF086  }
0x1c: {  	p1 =	slt.u32 s9, $0xF7A;
	s5 =	simm.s32 @!p2 $0x0  }
0x1d: {  	s5 =	simm.s32 @p1 $0x1;
	p0 =	seq.s32 s7, s2  }
0x1e: {  	s7 =	smul.u32 @!p0 $0xF7A, s2;
	p2 =	seq.s32 @!p0 s5, $0x0  }
0x1f: {  	s9 =	smul.u32 $0xF7A, s1;
	s8 =	simm.s32 @!p0 $0x1BF5;
	p2 =	por !p2, p0  }
0x20: {  	[sflag:s8] =	ssyncset.s32 @!p0 $0xFFFFF086;
	s6 =	sadd.s32 @!p0 s3, s7;
	s7 =	simm.s32 @!p0 $0x108  }
0x21: {  	s3 =	sadd.s32 s3, s9;
	s6 =	sadd.s32 @!p0 $0x88, s6;
	s7 =	simm.s32 @p2 $0x1082  }
0x22: {  	[simem:s7], [sflag:s8] =	dma.local @!p0 [hbm:s6], $0xF7A  }
0x23: {  	s9 =	sor.u32 $0xD0000000, s2;
	s6 =	simm.s32 $0x108;
	_ =	swait.ge @!p0 [sflag:s8], $0x0  }
0x24: {  	s3 =	sadd.s32 $0x88, s3;
	s6 =	simm.s32 @!p1 $0x1082;
	[sflag:s4] =	ssyncset.s32 $0xFFFFF086  }
0x25: {  	[simem:s6], [sflag:s4] =	dma.local [hbm:s3], $0xF7A  }
0x26: {  	[smem:$0x3F9D] =	sst s1;
	(tag) =	ssettag s2;
	_ =	strace s9  }
0x27: {  	s1 =	sld [smem:$0x3FAD]  }
0x28: {  	s2 =	sld [smem:$0x3FAE]  }
0x29: {  	s4 =	sld [smem:$0x3FB0]  }
0x2a: {  	p0 =	seq.s32 s5, $0x0;
	s5 =	sld [smem:$0x3FB1]  }
0x2b: {  	s6 =	sld [smem:$0x3FB2]  }
0x2c: {  	s7 =	sld [smem:$0x3FB3]  }
0x2d: {  	s3 =	simm.s32 $0x108;
	s8 =	sld [smem:$0x3FB4]  }
0x2e: {  	s3 =	simm.s32 @!p0 $0x1082;
	s9 =	sld [smem:$0x3FB5]  }
0x2f: {  	lr =	sadd.s32 s0, s3;
	s0 =	sld [smem:$0x3FAC]  }
0x30: {  	s3 =	sld [smem:$0x3FAF]  }
0x31: {  	[smem:$0x3FB8] =	sst s10  }
0x32: {  	s10 =	sld [smem:$0x3FB6];
	_ =	sdelay $0x3  }
0x33: {  	p0 =	seq.s32 s10, $0x1;
	s10 =	sld [smem:$0x3FB8];
	_ =	sdelay $0x3  }
0x34: {  	[smem:$0x3FB8] =	sst s10  }
0x35: {  	s10 =	sld [smem:$0x3FB7];
	_ =	sdelay $0x3  }
0x36: {  	p1 =	seq.s32 s10, $0x1;
	s10 =	sld [smem:$0x3FB8];
	_ =	sdelay $0x3  }
0x37: {  	[smem:$0x3FB8] =	sst s10  }
0x38: {  	s10 =	sld [smem:$0x3FB9]  }
0x39: {  	_ = 	snop;
	(pc) =	sbr.ind lr, $3  }
0x3a: {  	_ = 	snop  }
0x3b: {  	_ = 	snop  }
0x3c: {  	p2 =	seq.s32 s10, $0x1;
	s10 =	sld [smem:$0x3FB8]  }
0x3d: {  	_ =	shalt  }
0x3e: {  	_ =	shalt  }
0x3f: {  	_ =	shalt  }
0x40: {  	_ =	shalt  }
0x41: {  	_ =	shalt  }
0x42: {  	_ =	shalt  }
0x43: {  	_ =	shalt  }
0x44: {  	_ =	shalt  }
0x45: {  	_ =	shalt  }
0x46: {  	_ =	shalt  }
0x47: {  	_ =	shalt  }
0x48: {  	_ =	shalt  }
0x49: {  	_ =	shalt  }
0x4a: {  	_ =	shalt  }
0x4b: {  	_ =	shalt  }
0x4c: {  	_ =	shalt  }
0x4d: {  	_ =	shalt  }
0x4e: {  	_ =	shalt  }
0x4f: {  	_ =	shalt  }
0x50: {  	_ =	shalt  }
0x51: {  	_ =	shalt  }
0x52: {  	_ =	shalt  }
0x53: {  	_ =	shalt  }
0x54: {  	_ =	shalt  }
0x55: {  	_ =	shalt  }
0x56: {  	_ =	shalt  }
0x57: {  	_ =	shalt  }
0x58: {  	_ =	shalt  }
0x59: {  	_ =	shalt  }
0x5a: {  	_ =	shalt  }
0x5b: {  	_ =	shalt  }
0x5c: {  	_ =	shalt  }
0x5d: {  	_ =	shalt  }
0x5e: {  	_ =	shalt  }
0x5f: {  	_ =	shalt  }
0x60: {  	_ =	shalt  }
0x61: {  	_ =	shalt  }
0x62: {  	_ =	shalt  }
0x63: {  	_ =	shalt  }
0x64: {  	_ =	shalt  }
0x65: {  	_ =	shalt  }
0x66: {  	_ =	shalt  }
0x67: {  	_ =	shalt  }
0x68: {  	_ =	shalt  }
0x69: {  	_ =	shalt  }
0x6a: {  	_ =	shalt  }
0x6b: {  	_ =	shalt  }
0x6c: {  	_ =	shalt  }
0x6d: {  	_ =	shalt  }
0x6e: {  	_ =	shalt  }
0x6f: {  	_ =	shalt  }
0x70: {  	_ =	shalt  }
0x71: {  	_ =	shalt  }
0x72: {  	_ =	shalt  }
0x73: {  	_ =	shalt  }
0x74: {  	_ =	shalt  }
0x75: {  	_ =	shalt  }
0x76: {  	_ =	shalt  }
0x77: {  	_ =	shalt  }
0x78: {  	_ =	shalt  }
0x79: {  	_ =	shalt  }
0x7a: {  	_ =	shalt  }
0x7b: {  	_ =	shalt  }
0x7c: {  	_ =	shalt  }
0x7d: {  	_ =	shalt  }
0x7e: {  	_ =	shalt  }
0x7f: {  	_ =	shalt  }
0x80: {  	_ =	shalt  }
0x81: {  	_ =	shalt  }
0x82: {  	_ =	shalt  }
0x83: {  	_ =	shalt  }
0x84: {  	_ =	shalt  }
0x85: {  	_ =	shalt  }
0x86: {  	_ =	shalt  }
0x87: {  	_ =	shalt  }
.Lfunc_end0:
.L_simem_size_0:
called_computation_lowered:
.L_overlay_start_0:
0x88: {  	s2 =	sld [smem:$0x3FD9]  }
0x89: {  	s3 =	sld [smem:$0x3FFE];
	_ =	sdelay $0x1  }
0x8a: {  	s1 =	srdreg.scid  }
0x8b: {  	s0 =	sand.u32 $0x1, s1  }
0x8c: {  	s17 =	sshll.u32 s0, $0xA;
	s2 =	sadd.s32 s3, s2  }
0x8d: {  	s2 =	sadd.s32 s2, s17  }
0x8e: {  	[smem:$0x3FC4] =	sst s2  }
0x8f: {  	_ = 	snop  }
0x90: {  	s2 =	sld [smem:$0x3FC9]  }
0x91: {  	s18 =	sld [smem:$0x3FD0];
	(tm) =	ssettm $0x1  }
0x92: {  	s4 =	sld [smem:$0x3FFB];
	_ =	sdelay $0x3  }
0x93: {  	_ =	strace s4  }
0x94: {  	s4 =	sld [smem:$0x3FFC];
	_ =	sdelay $0x3  }
0x95: {  	_ =	strace s4  }
0x96: {  	s4 =	sld [smem:$0x3FFD];
	_ =	sdelay $0x3  }
0x97: {  	_ =	strace s4  }
0x98: {  	_ =	strace $0x8FFFFFFF  }
0x99: {  	s19 =	sld [smem:$0x3FDB];
	_ =	sdelay $0x1  }
0x9a: {  	s5 =	simm.s32 $_scs_section_size  }
0x9b: {  	s6 =	simm.s32 $_size__tile_overlayer_lowered;
	s7 =	simm.s32 $_tile_overlayer_lowered  }
0x9c: {  	s22 =	simm.s32 $0x1BFF;
	s21 =	sshll.u32 s7, $0x1;
	s4 =	sadd.s32 s5, s19  }
0x9d: {  	s8 =	simm.s32 $0x0;
	s20 =	sshll.u32 s6, $0x1;
	s6 =	sadd.s32 s21, s4  }
0x9e: {  	[timem:s8], [sflag:s22] =	dma.local [hbm:s6], s20  }
0x9f: {  	_ =	swait.ge [sflag:s22], s20  }
0xa0: {  	s5 =	ssub.s32 $0x0, s20;
	[sflag:s22] =	ssyncset.done $0x0  }
0xa1: {  	[sflag:s22] =	ssyncadd.s32 s5;
	_ =	sdelay $0x1  }
0xa2: {  	s23 =	simm.s32 $0x1B8B  }
0xa3: {  	_ =	swait.ge [sflag:s23], $0x1  }
0xa4: {  	[sflag:s23] =	ssyncset.done $0x0  }
0xa5: {  	s25 =	simm.s32 $0x1B8E;
	s24 =	sld [smem:$0x3FFE];
	[sflag:s23] =	ssyncadd.s32 $0xFFFFFFFF  }
0xa6: {  	s26 =	simm.s32 $execute0_lowered;
	[smem:$0x3FD2] =	sst s25  }
0xa7: {  	s6 =	sshll.u32 s26, $0x1;
	_ =	strace $0x80000046;
	[dreg:$0x1] =	wrdreg $0xFFFFFFFF  }
0xa8: {  	s28 =	simm.s32 $_size_execute0_lowered;
	s4 =	sadd.s32 s4, s6;
	[dreg:$0x0] =	wrdreg $0x0  }
0xa9: {  	s6 =	sshll.u32 s28, $0x1;
	[dreg:$0x2] =	wrdreg s4  }
0xaa: {  	[dreg:$0x3] =	wrdreg s6  }
0xab: {  	[dreg:$0x4] =	wrdreg $0xC0  }
0xac: {  	_ =	task [dreg:s8], $0x5FFFF  }
0xad: {  	[dreg:$0x1] =	wrdreg $0xFFFFFFFF  }
0xae: {  	[dreg:$0x0] =	wrdreg $0x60  }
0xaf: {  	[dreg:$0x2] =	wrdreg s18  }
0xb0: {  	[dreg:$0x3] =	wrdreg s24  }
0xb1: {  	[dreg:$0x4] =	wrdreg s2  }
0xb2: {  	[dreg:$0x5] =	wrdreg $0x9  }
0xb3: {  	_ =	task.clear_ibuf [dreg:s8], $0x6FFFF;
	_ =	strace $0x90000046  }
0xb4: {  	s29 =	simm.s32 $0x9;
	_ =	strace $0x80000048  }
0xb5: {  	_ =	swait.ge [sflag:s29], $0x1  }
0xb6: {  	[sflag:s29] =	ssyncadd.s32 $0xFFFFFFFF  }
0xb7: {  	_ =	strace $0x90000048  }
0xb8: {  	_ =	sfence  }
0xb9: {  	s30 =	sld [smem:$0x0];
	_ =	sdelay $0x2  }
0xba: {  	s31 =	sshll.u32 s1, $0xD;
	s1 =	sshrl.u32 s1, $0x2  }
0xbb: {  	s3 =	sand.u32 $0x4000, s31;
	s1 =	sadd.s32 s1, s30  }
0xbc: {  	s0 =	sor.u32 s3, s0;
	s1 =	sshll.u32 s1, $0x11  }
0xbd: {  	s0 =	sor.u32 s1, s0  }
0xbe: {  	s0 =	sadd.s32 $0x8F2B, s0  }
0xbf: {  	[sflag:s0] =	ssyncadd.remote.s32 $0x1  }
0xc0: {  	_ =	sfence.sel $0xFFFF  }
0xc1: {  	[dreg:$0x0] =	wrdreg $0xFFFFFFFF;
	(pc) =	sbr.abs _section_cstart, $3  }
0xc2: {  	[dreg:$0x1] =	wrdreg $0xFFFFFFFF  }
0xc3: {  	_ =	task.clear_ibuf [dreg:s8], $0x2FFFF;
	_ =	strace $0x9FFFFFFF  }
0xc4: {  	(tm) =	ssettm $0x7FFFFFFF  }
0xc5: {  	_ =	shalt  }
tec
execute0_lowered:
.L_overlay_start_1:
0x0: {  	(tag) =	ssettag $0x1  }
0x1: {  	s0 =	rddreg [dreg:$0x0]  }
0x2: {  	s19 =	rddreg [dreg:$0x1]  }
0x3: {  	s2 =	rddreg [dreg:$0x2]  }
0x4: {  	s1 =	simm.s32 $0x0;
	[dreg:$0x4] =	wrdreg s0  }
0x5: {  	[smem:$0x7FF] =	sst s1;
	s3 =	sadd.s32 $0x3200, s19  }
0x6: {  	s20 =	sadd.s32 $0x6400, s19;
	_ =	strace $0x80000047;
	[dreg:$0x5] =	wrdreg s3  }
0x7: {  	s21 =	sadd.s32 $0x9600, s19;
	[dreg:$0x6] =	wrdreg s20  }
0x8: {  	s22 =	sadd.s32 $0xC800, s19;
	[dreg:$0x7] =	wrdreg s21  }
0x9: {  	s23 =	sadd.s32 $0xFA00, s19;
	[dreg:$0x8] =	wrdreg s22  }
0xa: {  	s24 =	sadd.s32 $0x12C00, s19;
	[dreg:$0x9] =	wrdreg s23  }
0xb: {  	s25 =	sadd.s32 $0x15E00, s19;
	[dreg:$0xa] =	wrdreg s24  }
0xc: {  	s26 =	sadd.s32 $0x19000, s19;
	[dreg:$0xb] =	wrdreg s25  }
0xd: {  	s4 =	sadd.s32 $0x1C200, s19;
	[dreg:$0xc] =	wrdreg s26  }
0xe: {  	s5 =	sadd.s32 $0x1F400, s19;
	[dreg:$0xd] =	wrdreg s4  }
0xf: {  	s30 =	simm.s32 $0x20;
	s6 =	sadd.s32 $0x22600, s19;
	[dreg:$0xe] =	wrdreg s5  }
0x10: {  	s29 =	simm.s32 $0x40;
	s7 =	sadd.s32 $0x25800, s19;
	[dreg:$0xf] =	wrdreg s6  }
0x11: {  	s28 =	simm.s32 $0x60;
	s8 =	sadd.s32 $0x28A00, s19;
	[dreg:$0x10] =	wrdreg s7  }
0x12: {  	p0 =	por $0x0, $0x0;
	s10 =	sadd.s32 $0x2BC00, s19;
	[dreg:$0x11] =	wrdreg s8  }
0x13: {  	s11 =	sadd.s32 $0x2EE00, s19;
	s4 =	srdreg.scid;
	[dreg:$0x12] =	wrdreg s10  }
0x14: {  	s31 =	simm.s32 $0x1;
	s5 =	stileid.u32;
	[dreg:$0x13] =	wrdreg s11  }
0x15: {  	s26 =	simm.s32 $0x80;
	s25 =	simm.s32 $0xA0;
	s24 =	simm.s32 $0xC0  }
0x16: {  	s23 =	simm.s32 $0xE0;
	s22 =	simm.s32 $0x100;
	s9 =	sand.u32 $0x1, s4  }
0x17: {  	s21 =	simm.s32 $0x120;
	s5 =	sshll.u32 s5, $0x3;
	s6 =	sshll.u32 s9, $0x2  }
0x18: {  	s20 =	simm.s32 $0x140;
	s3 =	ssub.s32 $0x2, s9;
	s5 =	sor.u32 s6, s5  }
0x19: {  	s17 =	sshrl.u32 s3, $0x1;
	s0 =	sadd.s32 s5, s19;
	s2 =	sadd.s32 s2, s5  }
0x1a: {  	s3 =	ssub.s32 s3, s17;
	s17 =	simm.s32 $0x1A0;
	[dreg:$0x14] =	wrdreg s2  }
0x1b: {  	s12 =	sadd.s32 $0x32000, s0;
	s13 =	sadd.s32 $0x32080, s0;
	s14 =	sadd.s32 $0x32100, s0  }
0x1c: {  	s15 =	sadd.s32 $0x32180, s0;
	s16 =	sadd.s32 $0x32200, s0;
	s18 =	sadd.s32 $0x32280, s0  }
0x1d: {  	s11 =	sadd.s32 $0x32400, s0;
	s10 =	sadd.s32 $0x32480, s0;
	[dreg:$0x15] =	wrdreg s12  }
0x1e: {  	s9 =	sadd.s32 $0x32500, s0;
	s8 =	sadd.s32 $0x32580, s0;
	[dreg:$0x16] =	wrdreg s13  }
0x1f: {  	s7 =	sadd.s32 $0x32600, s0;
	s19 =	smax.u32 s3, $0x1;
	[dreg:$0x17] =	wrdreg s14  }
0x20: {  	s6 =	sadd.s32 $0x32680, s0;
	[dreg:$0x18] =	wrdreg s15;
	p1 =	sne.s32 s19, $0x1  }
.Ltmp0:
0x21: {  	s5 =	sadd.s32 $0x32700, s0;
	[dreg:$0x19] =	wrdreg s16;
	(pc) =	sbr.rel @!p1 .LBB2_3-.Ltmp0, $4  }
0x22: {  	s4 =	sadd.s32 $0x32780, s0;
	s3 =	simm.s32 $0x2;
	[dreg:$0x1a] =	wrdreg s18  }
0x23: {  	s15 =	sadd.s32 $0x32300, s0;
	s13 =	sadd.s32 $0x32380, s0;
	s18 =	simm.s32 $0x160  }
0x24: {  	s0 =	sadd.s32 $0xFFFFFFFF, s19;
	s19 =	simm.s32 $0x180;
	s16 =	simm.s32 $0x1C0  }
0x25: {  	s14 =	simm.s32 $0x1E0;
	s12 =	simm.s32 $0x200;
	s2 =	rddreg [dreg:$0x14]  }
0x26: {  	[tilespmem:s1], [sflag:$0x2] =	stream.linear.gather [hbm4b:s2+s1], $0x20, $0x38;
	[tilespmem:$0x220] =	vst v63  }
0x27: {  	_ =	swait.ge [sflag:s3], $0x20  }
0x28: {  	[dreg:$0x1b] =	wrdreg s0;
	[sflag:s3] =	ssyncset.done $0x0  }
0x29: {  	s2 =	rddreg [dreg:$0x4];
	[sflag:s3] =	ssyncadd.s32 $0xFFFFFFE0  }
0x2a: {  	[tilespmem:s30], [sflag:$0x1] =	stream.indirect.gather [hbm4b:s2+s30], $0x1, s1, s30, $0xb8;
	[tilespmem:$0x220] =	vst v63  }
0x2b: {  	s0 =	rddreg [dreg:$0x5]  }
0x2c: {  	[tilespmem:s29], [sflag:$0x1] =	stream.indirect.gather [hbm4b:s0+s30], $0x1, s1, s30, $0xb8;
	[tilespmem:$0x220] =	vst v63  }
0x2d: {  	s2 =	rddreg [dreg:$0x6]  }
0x2e: {  	[tilespmem:s28], [sflag:$0x1] =	stream.indirect.gather [hbm4b:s2+s30], $0x1, s1, s30, $0xb8;
	[tilespmem:$0x220] =	vst v63  }
0x2f: {  	s0 =	rddreg [dreg:$0x7]  }
0x30: {  	[tilespmem:s26], [sflag:$0x1] =	stream.indirect.gather [hbm4b:s0+s30], $0x1, s1, s30, $0xb8;
	[tilespmem:$0x220] =	vst v63  }
0x31: {  	s2 =	rddreg [dreg:$0x8]  }
0x32: {  	[tilespmem:s25], [sflag:$0x1] =	stream.indirect.gather [hbm4b:s2+s30], $0x1, s1, s30, $0xb8;
	[tilespmem:$0x220] =	vst v63  }
0x33: {  	s0 =	rddreg [dreg:$0x9]  }
0x34: {  	[tilespmem:s24], [sflag:$0x1] =	stream.indirect.gather [hbm4b:s0+s30], $0x1, s1, s30, $0xb8;
	[tilespmem:$0x220] =	vst v63  }
0x35: {  	s2 =	rddreg [dreg:$0xa]  }
0x36: {  	[tilespmem:s23], [sflag:$0x1] =	stream.indirect.gather [hbm4b:s2+s30], $0x1, s1, s30, $0xb8;
	[tilespmem:$0x220] =	vst v63  }
0x37: {  	s0 =	rddreg [dreg:$0xb]  }
0x38: {  	[tilespmem:s22], [sflag:$0x1] =	stream.indirect.gather [hbm4b:s0+s30], $0x1, s1, s30, $0xb8;
	[tilespmem:$0x220] =	vst v63  }
0x39: {  	s2 =	rddreg [dreg:$0xc]  }
0x3a: {  	[tilespmem:s21], [sflag:$0x1] =	stream.indirect.gather [hbm4b:s2+s30], $0x1, s1, s30, $0xb8;
	[tilespmem:$0x220] =	vst v63  }
0x3b: {  	s0 =	rddreg [dreg:$0xd]  }
0x3c: {  	[tilespmem:s20], [sflag:$0x1] =	stream.indirect.gather [hbm4b:s0+s30], $0x1, s1, s30, $0xb8;
	[tilespmem:$0x220] =	vst v63  }
0x3d: {  	s2 =	rddreg [dreg:$0xe]  }
0x3e: {  	[tilespmem:s18], [sflag:$0x1] =	stream.indirect.gather [hbm4b:s2+s30], $0x1, s1, s30, $0xb8;
	[tilespmem:$0x220] =	vst v63  }
0x3f: {  	s0 =	rddreg [dreg:$0xf]  }
0x40: {  	[tilespmem:s19], [sflag:$0x1] =	stream.indirect.gather [hbm4b:s0+s30], $0x1, s1, s30, $0xb8;
	[tilespmem:$0x220] =	vst v63  }
0x41: {  	s2 =	rddreg [dreg:$0x10]  }
0x42: {  	[tilespmem:s17], [sflag:$0x1] =	stream.indirect.gather [hbm4b:s2+s30], $0x1, s1, s30, $0xb8;
	[tilespmem:$0x220] =	vst v63  }
0x43: {  	s0 =	rddreg [dreg:$0x11]  }
0x44: {  	[tilespmem:s16], [sflag:$0x1] =	stream.indirect.gather [hbm4b:s0+s30], $0x1, s1, s30, $0xb8;
	[tilespmem:$0x220] =	vst v63  }
0x45: {  	s2 =	rddreg [dreg:$0x12]  }
0x46: {  	[tilespmem:s14], [sflag:$0x1] =	stream.indirect.gather [hbm4b:s2+s30], $0x1, s1, s30, $0xb8;
	[tilespmem:$0x220] =	vst v63  }
0x47: {  	s0 =	rddreg [dreg:$0x13]  }
0x48: {  	[tilespmem:s12], [sflag:$0x1] =	stream.indirect.gather [hbm4b:s0+s30], $0x1, s1, s30, $0xb8;
	[tilespmem:$0x220] =	vst v63  }
0x49: {  	_ =	swait.ge [sflag:s31], $0x20  }
0x4a: {  	[sflag:s31] =	ssyncset.done $0x0  }
0x4b: {  	[sflag:s31] =	ssyncadd.s32 $0xFFFFFFE0  }
0x4c: {  	_ =	swait.ge [sflag:s31], $0x20  }
0x4d: {  	[sflag:s31] =	ssyncset.done $0x0  }
0x4e: {  	[sflag:s31] =	ssyncadd.s32 $0xFFFFFFE0  }
0x4f: {  	_ =	swait.ge [sflag:s31], $0x20  }
0x50: {  	[sflag:s31] =	ssyncset.done $0x0  }
0x51: {  	[sflag:s31] =	ssyncadd.s32 $0xFFFFFFE0  }
0x52: {  	_ =	swait.ge [sflag:s31], $0x20  }
0x53: {  	[sflag:s31] =	ssyncset.done $0x0  }
0x54: {  	[sflag:s31] =	ssyncadd.s32 $0xFFFFFFE0  }
0x55: {  	_ =	swait.ge [sflag:s31], $0x20  }
0x56: {  	[sflag:s31] =	ssyncset.done $0x0  }
0x57: {  	[sflag:s31] =	ssyncadd.s32 $0xFFFFFFE0  }
0x58: {  	_ =	swait.ge [sflag:s31], $0x20  }
0x59: {  	[sflag:s31] =	ssyncset.done $0x0  }
0x5a: {  	[sflag:s31] =	ssyncadd.s32 $0xFFFFFFE0  }
0x5b: {  	_ =	swait.ge [sflag:s31], $0x20  }
0x5c: {  	[sflag:s31] =	ssyncset.done $0x0  }
0x5d: {  	[sflag:s31] =	ssyncadd.s32 $0xFFFFFFE0  }
0x5e: {  	_ =	swait.ge [sflag:s31], $0x20  }
0x5f: {  	[sflag:s31] =	ssyncset.done $0x0  }
0x60: {  	[sflag:s31] =	ssyncadd.s32 $0xFFFFFFE0  }
0x61: {  	_ =	swait.ge [sflag:s31], $0x20  }
0x62: {  	[sflag:s31] =	ssyncset.done $0x0  }
0x63: {  	[sflag:s31] =	ssyncadd.s32 $0xFFFFFFE0  }
0x64: {  	_ =	swait.ge [sflag:s31], $0x20  }
0x65: {  	[sflag:s31] =	ssyncset.done $0x0  }
0x66: {  	[sflag:s31] =	ssyncadd.s32 $0xFFFFFFE0  }
0x67: {  	_ =	swait.ge [sflag:s31], $0x20  }
0x68: {  	[sflag:s31] =	ssyncset.done $0x0  }
0x69: {  	[sflag:s31] =	ssyncadd.s32 $0xFFFFFFE0  }
0x6a: {  	_ =	swait.ge [sflag:s31], $0x20  }
0x6b: {  	[sflag:s31] =	ssyncset.done $0x0  }
0x6c: {  	[sflag:s31] =	ssyncadd.s32 $0xFFFFFFE0  }
0x6d: {  	_ =	swait.ge [sflag:s31], $0x20  }
0x6e: {  	[sflag:s31] =	ssyncset.done $0x0  }
0x6f: {  	[sflag:s31] =	ssyncadd.s32 $0xFFFFFFE0  }
0x70: {  	_ =	swait.ge [sflag:s31], $0x20  }
0x71: {  	[sflag:s31] =	ssyncset.done $0x0  }
0x72: {  	[sflag:s31] =	ssyncadd.s32 $0xFFFFFFE0  }
0x73: {  	_ =	swait.ge [sflag:s31], $0x20  }
0x74: {  	[sflag:s31] =	ssyncset.done $0x0  }
0x75: {  	[sflag:s31] =	ssyncadd.s32 $0xFFFFFFE0  }
0x76: {  	_ =	swait.ge [sflag:s31], $0x20  }
0x77: {  	[sflag:s31] =	ssyncset.done $0x0  }
0x78: {  	s2 =	rddreg [dreg:$0x15];
	[sflag:s31] =	ssyncadd.s32 $0xFFFFFFE0  }
0x79: {  	[hbm4b:s2+s1] =	stream.linear.scatter [tilespmem:s30], [sflag:$0x2], $0x20, $0x38;
	[tilespmem:$0x220] =	vst v63  }
0x7a: {  	_ =	swait.ge [sflag:s3], $0x20  }
0x7b: {  	[sflag:s3] =	ssyncset.done $0x0  }
0x7c: {  	s2 =	rddreg [dreg:$0x16];
	[sflag:s3] =	ssyncadd.s32 $0xFFFFFFE0  }
0x7d: {  	[hbm4b:s2+s1] =	stream.linear.scatter [tilespmem:s29], [sflag:$0x2], $0x20, $0x38;
	[tilespmem:$0x220] =	vst v63  }
0x7e: {  	_ =	swait.ge [sflag:s3], $0x20  }
0x7f: {  	[sflag:s3] =	ssyncset.done $0x0  }
0x80: {  	s2 =	rddreg [dreg:$0x17];
	[sflag:s3] =	ssyncadd.s32 $0xFFFFFFE0  }
0x81: {  	[hbm4b:s2+s1] =	stream.linear.scatter [tilespmem:s28], [sflag:$0x2], $0x20, $0x38;
	[tilespmem:$0x220] =	vst v63  }
0x82: {  	_ =	swait.ge [sflag:s3], $0x20  }
0x83: {  	[sflag:s3] =	ssyncset.done $0x0  }
0x84: {  	s2 =	rddreg [dreg:$0x18];
	[sflag:s3] =	ssyncadd.s32 $0xFFFFFFE0  }
0x85: {  	[hbm4b:s2+s1] =	stream.linear.scatter [tilespmem:s26], [sflag:$0x2], $0x20, $0x38;
	[tilespmem:$0x220] =	vst v63  }
0x86: {  	_ =	swait.ge [sflag:s3], $0x20  }
0x87: {  	[sflag:s3] =	ssyncset.done $0x0  }
0x88: {  	s2 =	rddreg [dreg:$0x19];
	[sflag:s3] =	ssyncadd.s32 $0xFFFFFFE0  }
0x89: {  	[hbm4b:s2+s1] =	stream.linear.scatter [tilespmem:s25], [sflag:$0x2], $0x20, $0x38;
	[tilespmem:$0x220] =	vst v63  }
0x8a: {  	_ =	swait.ge [sflag:s3], $0x20  }
0x8b: {  	[sflag:s3] =	ssyncset.done $0x0  }
0x8c: {  	s2 =	rddreg [dreg:$0x1a];
	[sflag:s3] =	ssyncadd.s32 $0xFFFFFFE0  }
0x8d: {  	[hbm4b:s2+s1] =	stream.linear.scatter [tilespmem:s24], [sflag:$0x2], $0x20, $0x38;
	[tilespmem:$0x220] =	vst v63  }
0x8e: {  	_ =	swait.ge [sflag:s3], $0x20  }
0x8f: {  	[sflag:s3] =	ssyncset.done $0x0  }
0x90: {  	[sflag:s3] =	ssyncadd.s32 $0xFFFFFFE0  }
0x91: {  	[hbm4b:s15+s1] =	stream.linear.scatter [tilespmem:s23], [sflag:$0x2], $0x20, $0x38;
	[tilespmem:$0x220] =	vst v63  }
0x92: {  	_ =	swait.ge [sflag:s3], $0x20  }
0x93: {  	[sflag:s3] =	ssyncset.done $0x0  }
0x94: {  	[sflag:s3] =	ssyncadd.s32 $0xFFFFFFE0  }
0x95: {  	[hbm4b:s13+s1] =	stream.linear.scatter [tilespmem:s22], [sflag:$0x2], $0x20, $0x38;
	[tilespmem:$0x220] =	vst v63  }
0x96: {  	_ =	swait.ge [sflag:s3], $0x20  }
0x97: {  	[sflag:s3] =	ssyncset.done $0x0  }
0x98: {  	[sflag:s3] =	ssyncadd.s32 $0xFFFFFFE0  }
0x99: {  	[hbm4b:s11+s1] =	stream.linear.scatter [tilespmem:s21], [sflag:$0x2], $0x20, $0x38;
	[tilespmem:$0x220] =	vst v63  }
0x9a: {  	_ =	swait.ge [sflag:s3], $0x20  }
0x9b: {  	[sflag:s3] =	ssyncset.done $0x0  }
0x9c: {  	[sflag:s3] =	ssyncadd.s32 $0xFFFFFFE0  }
0x9d: {  	[hbm4b:s10+s1] =	stream.linear.scatter [tilespmem:s20], [sflag:$0x2], $0x20, $0x38;
	[tilespmem:$0x220] =	vst v63  }
0x9e: {  	_ =	swait.ge [sflag:s3], $0x20  }
0x9f: {  	[sflag:s3] =	ssyncset.done $0x0  }
0xa0: {  	[sflag:s3] =	ssyncadd.s32 $0xFFFFFFE0  }
0xa1: {  	[hbm4b:s9+s1] =	stream.linear.scatter [tilespmem:s18], [sflag:$0x2], $0x20, $0x38;
	[tilespmem:$0x220] =	vst v63  }
0xa2: {  	_ =	swait.ge [sflag:s3], $0x20  }
0xa3: {  	[sflag:s3] =	ssyncset.done $0x0  }
0xa4: {  	[sflag:s3] =	ssyncadd.s32 $0xFFFFFFE0  }
0xa5: {  	[hbm4b:s8+s1] =	stream.linear.scatter [tilespmem:s19], [sflag:$0x2], $0x20, $0x38;
	[tilespmem:$0x220] =	vst v63  }
0xa6: {  	_ =	swait.ge [sflag:s3], $0x20  }
0xa7: {  	[sflag:s3] =	ssyncset.done $0x0  }
0xa8: {  	[sflag:s3] =	ssyncadd.s32 $0xFFFFFFE0  }
0xa9: {  	[hbm4b:s7+s1] =	stream.linear.scatter [tilespmem:s17], [sflag:$0x2], $0x20, $0x38;
	[tilespmem:$0x220] =	vst v63  }
0xaa: {  	_ =	swait.ge [sflag:s3], $0x20  }
0xab: {  	[sflag:s3] =	ssyncset.done $0x0  }
0xac: {  	[sflag:s3] =	ssyncadd.s32 $0xFFFFFFE0  }
0xad: {  	[hbm4b:s6+s1] =	stream.linear.scatter [tilespmem:s16], [sflag:$0x2], $0x20, $0x38;
	[tilespmem:$0x220] =	vst v63  }
0xae: {  	_ =	swait.ge [sflag:s3], $0x20  }
0xaf: {  	[sflag:s3] =	ssyncset.done $0x0  }
0xb0: {  	[sflag:s3] =	ssyncadd.s32 $0xFFFFFFE0  }
0xb1: {  	[hbm4b:s5+s1] =	stream.linear.scatter [tilespmem:s14], [sflag:$0x2], $0x20, $0x38;
	[tilespmem:$0x220] =	vst v63  }
0xb2: {  	_ =	swait.ge [sflag:s3], $0x20  }
0xb3: {  	s2 =	rddreg [dreg:$0x1b]  }
0xb4: {  	p1 =	sne.s32 s2, $0x1  }
.Ltmp1:
0xb5: {  	[sflag:s3] =	ssyncset.done $0x0;
	(pc) =	sbr.rel @!p1 .LBB2_3-.Ltmp1, $4  }
0xb6: {  	[sflag:s3] =	ssyncadd.s32 $0xFFFFFFE0  }
0xb7: {  	[hbm4b:s4+s1] =	stream.linear.scatter [tilespmem:s12], [sflag:$0x2], $0x20, $0x38;
	[tilespmem:$0x220] =	vst v63  }
0xb8: {  	p0 =	por $0x1, $0x1;
	_ =	swait.ge [sflag:s3], $0x20  }
0xb9: {  	s0 =	sadd.s32 $0xFFFFFFFF, s2;
	s2 =	rddreg [dreg:$0x14];
	[sflag:s3] =	ssyncset.done $0x0  }
.LBB2_2:
0xba: {  	[sflag:s3] =	ssyncadd.s32 $0xFFFFFFE0  }
0xbb: {  	[tilespmem:s1], [sflag:$0x2] =	stream.linear.gather [hbm4b:s2+s1], $0x20, $0x38;
	[tilespmem:$0x220] =	vst v63  }
0xbc: {  	s12 =	smov.u32 s10;
	s10 =	smov.u32 s9;
	_ =	swait.ge [sflag:s3], $0x20  }
0xbd: {  	s9 =	smov.u32 s8;
	s8 =	smov.u32 s7;
	[sflag:s3] =	ssyncset.done $0x0  }
0xbe: {  	s7 =	smov.u32 s6;
	s2 =	rddreg [dreg:$0x4];
	[sflag:s3] =	ssyncadd.s32 $0xFFFFFFE0  }
0xbf: {  	[tilespmem:s30], [sflag:$0x1] =	stream.indirect.gather [hbm4b:s2+s30], $0x1, s1, s30, $0xb8;
	[tilespmem:$0x220] =	vst v63  }
0xc0: {  	s6 =	smov.u32 s5;
	s5 =	smov.u32 s4;
	s4 =	rddreg [dreg:$0x5]  }
0xc1: {  	[tilespmem:s29], [sflag:$0x1] =	stream.indirect.gather [hbm4b:s4+s30], $0x1, s1, s30, $0xb8;
	[tilespmem:$0x220] =	vst v63  }
0xc2: {  	s2 =	rddreg [dreg:$0x6]  }
0xc3: {  	[tilespmem:s28], [sflag:$0x1] =	stream.indirect.gather [hbm4b:s2+s30], $0x1, s1, s30, $0xb8;
	[tilespmem:$0x220] =	vst v63  }
0xc4: {  	s4 =	rddreg [dreg:$0x7]  }
0xc5: {  	[tilespmem:s26], [sflag:$0x1] =	stream.indirect.gather [hbm4b:s4+s30], $0x1, s1, s30, $0xb8;
	[tilespmem:$0x220] =	vst v63  }
0xc6: {  	s2 =	rddreg [dreg:$0x8]  }
0xc7: {  	[tilespmem:s25], [sflag:$0x1] =	stream.indirect.gather [hbm4b:s2+s30], $0x1, s1, s30, $0xb8;
	[tilespmem:$0x220] =	vst v63  }
0xc8: {  	s4 =	rddreg [dreg:$0x9]  }
0xc9: {  	[tilespmem:s24], [sflag:$0x1] =	stream.indirect.gather [hbm4b:s4+s30], $0x1, s1, s30, $0xb8;
	[tilespmem:$0x220] =	vst v63  }
0xca: {  	s2 =	rddreg [dreg:$0xa]  }
0xcb: {  	[tilespmem:s23], [sflag:$0x1] =	stream.indirect.gather [hbm4b:s2+s30], $0x1, s1, s30, $0xb8;
	[tilespmem:$0x220] =	vst v63  }
0xcc: {  	s4 =	rddreg [dreg:$0xb]  }
0xcd: {  	[tilespmem:s22], [sflag:$0x1] =	stream.indirect.gather [hbm4b:s4+s30], $0x1, s1, s30, $0xb8;
	[tilespmem:$0x220] =	vst v63  }
0xce: {  	s2 =	rddreg [dreg:$0xc]  }
0xcf: {  	[tilespmem:s21], [sflag:$0x1] =	stream.indirect.gather [hbm4b:s2+s30], $0x1, s1, s30, $0xb8;
	[tilespmem:$0x220] =	vst v63  }
0xd0: {  	s4 =	rddreg [dreg:$0xd]  }
0xd1: {  	[tilespmem:s20], [sflag:$0x1] =	stream.indirect.gather [hbm4b:s4+s30], $0x1, s1, s30, $0xb8;
	[tilespmem:$0x220] =	vst v63  }
0xd2: {  	s19 =	simm.s32 $0x160;
	s2 =	rddreg [dreg:$0xe]  }
0xd3: {  	[tilespmem:s19], [sflag:$0x1] =	stream.indirect.gather [hbm4b:s2+s30], $0x1, s1, s30, $0xb8;
	[tilespmem:$0x220] =	vst v63  }
0xd4: {  	s4 =	rddreg [dreg:$0xf];
	s19 =	simm.s32 $0x180  }
0xd5: {  	[tilespmem:s19], [sflag:$0x1] =	stream.indirect.gather [hbm4b:s4+s30], $0x1, s1, s30, $0xb8;
	[tilespmem:$0x220] =	vst v63  }
0xd6: {  	s18 =	simm.s32 $0x1A0;
	s2 =	rddreg [dreg:$0x10]  }
0xd7: {  	[tilespmem:s18], [sflag:$0x1] =	stream.indirect.gather [hbm4b:s2+s30], $0x1, s1, s30, $0xb8;
	[tilespmem:$0x220] =	vst v63  }
0xd8: {  	s17 =	simm.s32 $0x1C0;
	s4 =	rddreg [dreg:$0x11]  }
0xd9: {  	[tilespmem:s17], [sflag:$0x1] =	stream.indirect.gather [hbm4b:s4+s30], $0x1, s1, s30, $0xb8;
	[tilespmem:$0x220] =	vst v63  }
0xda: {  	s16 =	simm.s32 $0x1E0;
	s2 =	rddreg [dreg:$0x12]  }
0xdb: {  	[tilespmem:s16], [sflag:$0x1] =	stream.indirect.gather [hbm4b:s2+s30], $0x1, s1, s30, $0xb8;
	[tilespmem:$0x220] =	vst v63  }
0xdc: {  	s14 =	simm.s32 $0x200;
	s4 =	rddreg [dreg:$0x13]  }
0xdd: {  	[tilespmem:s14], [sflag:$0x1] =	stream.indirect.gather [hbm4b:s4+s30], $0x1, s1, s30, $0xb8;
	[tilespmem:$0x220] =	vst v63  }
0xde: {  	_ =	swait.ge [sflag:s31], $0x20  }
0xdf: {  	[sflag:s31] =	ssyncset.done $0x0  }
0xe0: {  	[sflag:s31] =	ssyncadd.s32 $0xFFFFFFE0  }
0xe1: {  	_ =	swait.ge [sflag:s31], $0x20  }
0xe2: {  	[sflag:s31] =	ssyncset.done $0x0  }
0xe3: {  	[sflag:s31] =	ssyncadd.s32 $0xFFFFFFE0  }
0xe4: {  	_ =	swait.ge [sflag:s31], $0x20  }
0xe5: {  	[sflag:s31] =	ssyncset.done $0x0  }
0xe6: {  	[sflag:s31] =	ssyncadd.s32 $0xFFFFFFE0  }
0xe7: {  	_ =	swait.ge [sflag:s31], $0x20  }
0xe8: {  	[sflag:s31] =	ssyncset.done $0x0  }
0xe9: {  	[sflag:s31] =	ssyncadd.s32 $0xFFFFFFE0  }
0xea: {  	_ =	swait.ge [sflag:s31], $0x20  }
0xeb: {  	[sflag:s31] =	ssyncset.done $0x0  }
0xec: {  	[sflag:s31] =	ssyncadd.s32 $0xFFFFFFE0  }
0xed: {  	_ =	swait.ge [sflag:s31], $0x20  }
0xee: {  	[sflag:s31] =	ssyncset.done $0x0  }
0xef: {  	[sflag:s31] =	ssyncadd.s32 $0xFFFFFFE0  }
0xf0: {  	_ =	swait.ge [sflag:s31], $0x20  }
0xf1: {  	[sflag:s31] =	ssyncset.done $0x0  }
0xf2: {  	[sflag:s31] =	ssyncadd.s32 $0xFFFFFFE0  }
0xf3: {  	_ =	swait.ge [sflag:s31], $0x20  }
0xf4: {  	[sflag:s31] =	ssyncset.done $0x0  }
0xf5: {  	[sflag:s31] =	ssyncadd.s32 $0xFFFFFFE0  }
0xf6: {  	_ =	swait.ge [sflag:s31], $0x20  }
0xf7: {  	[sflag:s31] =	ssyncset.done $0x0  }
0xf8: {  	[sflag:s31] =	ssyncadd.s32 $0xFFFFFFE0  }
0xf9: {  	_ =	swait.ge [sflag:s31], $0x20  }
0xfa: {  	[sflag:s31] =	ssyncset.done $0x0  }
0xfb: {  	[sflag:s31] =	ssyncadd.s32 $0xFFFFFFE0  }
0xfc: {  	_ =	swait.ge [sflag:s31], $0x20  }
0xfd: {  	[sflag:s31] =	ssyncset.done $0x0  }
0xfe: {  	[sflag:s31] =	ssyncadd.s32 $0xFFFFFFE0  }
0xff: {  	_ =	swait.ge [sflag:s31], $0x20  }
0x100: {  	[sflag:s31] =	ssyncset.done $0x0  }
0x101: {  	[sflag:s31] =	ssyncadd.s32 $0xFFFFFFE0  }
0x102: {  	_ =	swait.ge [sflag:s31], $0x20  }
0x103: {  	[sflag:s31] =	ssyncset.done $0x0  }
0x104: {  	[sflag:s31] =	ssyncadd.s32 $0xFFFFFFE0  }
0x105: {  	_ =	swait.ge [sflag:s31], $0x20  }
0x106: {  	[sflag:s31] =	ssyncset.done $0x0  }
0x107: {  	[sflag:s31] =	ssyncadd.s32 $0xFFFFFFE0  }
0x108: {  	_ =	swait.ge [sflag:s31], $0x20  }
0x109: {  	[sflag:s31] =	ssyncset.done $0x0  }
0x10a: {  	[sflag:s31] =	ssyncadd.s32 $0xFFFFFFE0  }
0x10b: {  	_ =	swait.ge [sflag:s31], $0x20  }
0x10c: {  	[sflag:s31] =	ssyncset.done $0x0  }
0x10d: {  	s2 =	rddreg [dreg:$0x15];
	[sflag:s31] =	ssyncadd.s32 $0xFFFFFFE0  }
0x10e: {  	[hbm4b:s2+s1] =	stream.linear.scatter [tilespmem:s30], [sflag:$0x2], $0x20, $0x38;
	[tilespmem:$0x220] =	vst v63  }
0x10f: {  	_ =	swait.ge [sflag:s3], $0x20  }
0x110: {  	[sflag:s3] =	ssyncset.done $0x0  }
0x111: {  	s2 =	rddreg [dreg:$0x16];
	[sflag:s3] =	ssyncadd.s32 $0xFFFFFFE0  }
0x112: {  	[hbm4b:s2+s1] =	stream.linear.scatter [tilespmem:s29], [sflag:$0x2], $0x20, $0x38;
	[tilespmem:$0x220] =	vst v63  }
0x113: {  	_ =	swait.ge [sflag:s3], $0x20  }
0x114: {  	[sflag:s3] =	ssyncset.done $0x0  }
0x115: {  	s2 =	rddreg [dreg:$0x17];
	[sflag:s3] =	ssyncadd.s32 $0xFFFFFFE0  }
0x116: {  	[hbm4b:s2+s1] =	stream.linear.scatter [tilespmem:s28], [sflag:$0x2], $0x20, $0x38;
	[tilespmem:$0x220] =	vst v63  }
0x117: {  	_ =	swait.ge [sflag:s3], $0x20  }
0x118: {  	[sflag:s3] =	ssyncset.done $0x0  }
0x119: {  	s2 =	rddreg [dreg:$0x18];
	[sflag:s3] =	ssyncadd.s32 $0xFFFFFFE0  }
0x11a: {  	[hbm4b:s2+s1] =	stream.linear.scatter [tilespmem:s26], [sflag:$0x2], $0x20, $0x38;
	[tilespmem:$0x220] =	vst v63  }
0x11b: {  	_ =	swait.ge [sflag:s3], $0x20  }
0x11c: {  	[sflag:s3] =	ssyncset.done $0x0  }
0x11d: {  	s2 =	rddreg [dreg:$0x19];
	[sflag:s3] =	ssyncadd.s32 $0xFFFFFFE0  }
0x11e: {  	[hbm4b:s2+s1] =	stream.linear.scatter [tilespmem:s25], [sflag:$0x2], $0x20, $0x38;
	[tilespmem:$0x220] =	vst v63  }
0x11f: {  	_ =	swait.ge [sflag:s3], $0x20  }
0x120: {  	[sflag:s3] =	ssyncset.done $0x0  }
0x121: {  	s2 =	rddreg [dreg:$0x1a];
	[sflag:s3] =	ssyncadd.s32 $0xFFFFFFE0  }
0x122: {  	[hbm4b:s2+s1] =	stream.linear.scatter [tilespmem:s24], [sflag:$0x2], $0x20, $0x38;
	[tilespmem:$0x220] =	vst v63  }
0x123: {  	_ =	swait.ge [sflag:s3], $0x20  }
0x124: {  	[sflag:s3] =	ssyncset.done $0x0  }
0x125: {  	[sflag:s3] =	ssyncadd.s32 $0xFFFFFFE0  }
0x126: {  	[hbm4b:s15+s1] =	stream.linear.scatter [tilespmem:s23], [sflag:$0x2], $0x20, $0x38;
	[tilespmem:$0x220] =	vst v63  }
0x127: {  	_ =	swait.ge [sflag:s3], $0x20  }
0x128: {  	[sflag:s3] =	ssyncset.done $0x0  }
0x129: {  	[sflag:s3] =	ssyncadd.s32 $0xFFFFFFE0  }
0x12a: {  	[hbm4b:s13+s1] =	stream.linear.scatter [tilespmem:s22], [sflag:$0x2], $0x20, $0x38;
	[tilespmem:$0x220] =	vst v63  }
0x12b: {  	_ =	swait.ge [sflag:s3], $0x20  }
0x12c: {  	[sflag:s3] =	ssyncset.done $0x0  }
0x12d: {  	s4 =	smov.u32 s5;
	[sflag:s3] =	ssyncadd.s32 $0xFFFFFFE0  }
0x12e: {  	[hbm4b:s11+s1] =	stream.linear.scatter [tilespmem:s21], [sflag:$0x2], $0x20, $0x38;
	[tilespmem:$0x220] =	vst v63  }
0x12f: {  	s5 =	smov.u32 s6;
	s6 =	smov.u32 s7;
	_ =	swait.ge [sflag:s3], $0x20  }
0x130: {  	s7 =	smov.u32 s8;
	s8 =	smov.u32 s9;
	[sflag:s3] =	ssyncset.done $0x0  }
0x131: {  	s9 =	smov.u32 s10;
	s10 =	smov.u32 s12;
	[sflag:s3] =	ssyncadd.s32 $0xFFFFFFE0  }
0x132: {  	[hbm4b:s10+s1] =	stream.linear.scatter [tilespmem:s20], [sflag:$0x2], $0x20, $0x38;
	[tilespmem:$0x220] =	vst v63  }
0x133: {  	_ =	swait.ge [sflag:s3], $0x20  }
0x134: {  	[sflag:s3] =	ssyncset.done $0x0  }
0x135: {  	s18 =	simm.s32 $0x160;
	[sflag:s3] =	ssyncadd.s32 $0xFFFFFFE0  }
0x136: {  	[hbm4b:s9+s1] =	stream.linear.scatter [tilespmem:s18], [sflag:$0x2], $0x20, $0x38;
	[tilespmem:$0x220] =	vst v63  }
0x137: {  	_ =	swait.ge [sflag:s3], $0x20  }
0x138: {  	[sflag:s3] =	ssyncset.done $0x0  }
0x139: {  	[sflag:s3] =	ssyncadd.s32 $0xFFFFFFE0  }
0x13a: {  	[hbm4b:s8+s1] =	stream.linear.scatter [tilespmem:s19], [sflag:$0x2], $0x20, $0x38;
	[tilespmem:$0x220] =	vst v63  }
0x13b: {  	_ =	swait.ge [sflag:s3], $0x20  }
0x13c: {  	[sflag:s3] =	ssyncset.done $0x0  }
0x13d: {  	s17 =	simm.s32 $0x1A0;
	[sflag:s3] =	ssyncadd.s32 $0xFFFFFFE0  }
0x13e: {  	[hbm4b:s7+s1] =	stream.linear.scatter [tilespmem:s17], [sflag:$0x2], $0x20, $0x38;
	[tilespmem:$0x220] =	vst v63  }
0x13f: {  	_ =	swait.ge [sflag:s3], $0x20  }
0x140: {  	[sflag:s3] =	ssyncset.done $0x0  }
0x141: {  	s16 =	simm.s32 $0x1C0;
	[sflag:s3] =	ssyncadd.s32 $0xFFFFFFE0  }
0x142: {  	[hbm4b:s6+s1] =	stream.linear.scatter [tilespmem:s16], [sflag:$0x2], $0x20, $0x38;
	[tilespmem:$0x220] =	vst v63  }
0x143: {  	_ =	swait.ge [sflag:s3], $0x20  }
0x144: {  	[sflag:s3] =	ssyncset.done $0x0  }
0x145: {  	s14 =	simm.s32 $0x1E0;
	[sflag:s3] =	ssyncadd.s32 $0xFFFFFFE0  }
0x146: {  	[hbm4b:s5+s1] =	stream.linear.scatter [tilespmem:s14], [sflag:$0x2], $0x20, $0x38;
	[tilespmem:$0x220] =	vst v63  }
0x147: {  	p1 =	sne.s32 s0, $0x1;
	_ =	swait.ge [sflag:s3], $0x20  }
.Ltmp2:
0x148: {  	[sflag:s3] =	ssyncset.done $0x0;
	(pc) =	sbr.rel @p1 .LBB2_2-.Ltmp2, $4  }
0x149: {  	s12 =	simm.s32 $0x200;
	[sflag:s3] =	ssyncadd.s32 $0xFFFFFFE0  }
0x14a: {  	[hbm4b:s4+s1] =	stream.linear.scatter [tilespmem:s12], [sflag:$0x2], $0x20, $0x38;
	[tilespmem:$0x220] =	vst v63  }
0x14b: {  	_ =	swait.ge [sflag:s3], $0x20  }
0x14c: {  	s0 =	sadd.s32 $0xFFFFFFFF, s0;
	s2 =	rddreg [dreg:$0x14];
	[sflag:s3] =	ssyncset.done $0x0  }
.LBB2_3:
0x14d: {  	[sflag:s3] =	ssyncadd.s32 @p0 $0xFFFFFFE0  }
0x14e: {  	[tilespmem:s1], [sflag:$0x2] =	stream.linear.gather [hbm4b:s2+s1], $0x20, $0x38;
	[tilespmem:$0x220] =	vst v63  }
0x14f: {  	_ =	swait.ge [sflag:s3], $0x20  }
0x150: {  	[sflag:s3] =	ssyncset.done $0x0  }
0x151: {  	s0 =	rddreg [dreg:$0x4];
	[sflag:s3] =	ssyncadd.s32 $0xFFFFFFE0  }
0x152: {  	[tilespmem:s30], [sflag:$0x1] =	stream.indirect.gather [hbm4b:s0+s30], $0x1, s1, s30, $0xb8;
	[tilespmem:$0x220] =	vst v63  }
0x153: {  	s2 =	rddreg [dreg:$0x5]  }
0x154: {  	[tilespmem:s29], [sflag:$0x1] =	stream.indirect.gather [hbm4b:s2+s30], $0x1, s1, s30, $0xb8;
	[tilespmem:$0x220] =	vst v63  }
0x155: {  	s0 =	rddreg [dreg:$0x6]  }
0x156: {  	[tilespmem:s28], [sflag:$0x1] =	stream.indirect.gather [hbm4b:s0+s30], $0x1, s1, s30, $0xb8;
	[tilespmem:$0x220] =	vst v63  }
0x157: {  	s2 =	rddreg [dreg:$0x7]  }
0x158: {  	[tilespmem:s26], [sflag:$0x1] =	stream.indirect.gather [hbm4b:s2+s30], $0x1, s1, s30, $0xb8;
	[tilespmem:$0x220] =	vst v63  }
0x159: {  	s0 =	rddreg [dreg:$0x8]  }
0x15a: {  	[tilespmem:s25], [sflag:$0x1] =	stream.indirect.gather [hbm4b:s0+s30], $0x1, s1, s30, $0xb8;
	[tilespmem:$0x220] =	vst v63  }
0x15b: {  	s2 =	rddreg [dreg:$0x9]  }
0x15c: {  	[tilespmem:s24], [sflag:$0x1] =	stream.indirect.gather [hbm4b:s2+s30], $0x1, s1, s30, $0xb8;
	[tilespmem:$0x220] =	vst v63  }
0x15d: {  	s0 =	rddreg [dreg:$0xa]  }
0x15e: {  	[tilespmem:s23], [sflag:$0x1] =	stream.indirect.gather [hbm4b:s0+s30], $0x1, s1, s30, $0xb8;
	[tilespmem:$0x220] =	vst v63  }
0x15f: {  	s2 =	rddreg [dreg:$0xb]  }
0x160: {  	[tilespmem:s22], [sflag:$0x1] =	stream.indirect.gather [hbm4b:s2+s30], $0x1, s1, s30, $0xb8;
	[tilespmem:$0x220] =	vst v63  }
0x161: {  	s0 =	rddreg [dreg:$0xc]  }
0x162: {  	[tilespmem:s21], [sflag:$0x1] =	stream.indirect.gather [hbm4b:s0+s30], $0x1, s1, s30, $0xb8;
	[tilespmem:$0x220] =	vst v63  }
0x163: {  	s2 =	rddreg [dreg:$0xd]  }
0x164: {  	[tilespmem:s20], [sflag:$0x1] =	stream.indirect.gather [hbm4b:s2+s30], $0x1, s1, s30, $0xb8;
	[tilespmem:$0x220] =	vst v63  }
0x165: {  	s0 =	rddreg [dreg:$0xe]  }
0x166: {  	[tilespmem:s18], [sflag:$0x1] =	stream.indirect.gather [hbm4b:s0+s30], $0x1, s1, s30, $0xb8;
	[tilespmem:$0x220] =	vst v63  }
0x167: {  	s2 =	rddreg [dreg:$0xf]  }
0x168: {  	[tilespmem:s19], [sflag:$0x1] =	stream.indirect.gather [hbm4b:s2+s30], $0x1, s1, s30, $0xb8;
	[tilespmem:$0x220] =	vst v63  }
0x169: {  	s0 =	rddreg [dreg:$0x10]  }
0x16a: {  	[tilespmem:s17], [sflag:$0x1] =	stream.indirect.gather [hbm4b:s0+s30], $0x1, s1, s30, $0xb8;
	[tilespmem:$0x220] =	vst v63  }
0x16b: {  	s2 =	rddreg [dreg:$0x11]  }
0x16c: {  	[tilespmem:s16], [sflag:$0x1] =	stream.indirect.gather [hbm4b:s2+s30], $0x1, s1, s30, $0xb8;
	[tilespmem:$0x220] =	vst v63  }
0x16d: {  	s0 =	rddreg [dreg:$0x12]  }
0x16e: {  	[tilespmem:s14], [sflag:$0x1] =	stream.indirect.gather [hbm4b:s0+s30], $0x1, s1, s30, $0xb8;
	[tilespmem:$0x220] =	vst v63  }
0x16f: {  	s2 =	rddreg [dreg:$0x13]  }
0x170: {  	[tilespmem:s12], [sflag:$0x1] =	stream.indirect.gather [hbm4b:s2+s30], $0x1, s1, s30, $0xb8;
	[tilespmem:$0x220] =	vst v63  }
0x171: {  	_ =	swait.ge [sflag:s31], $0x20  }
0x172: {  	[sflag:s31] =	ssyncset.done $0x0  }
0x173: {  	[sflag:s31] =	ssyncadd.s32 $0xFFFFFFE0  }
0x174: {  	_ =	swait.ge [sflag:s31], $0x20  }
0x175: {  	[sflag:s31] =	ssyncset.done $0x0  }
0x176: {  	[sflag:s31] =	ssyncadd.s32 $0xFFFFFFE0  }
0x177: {  	_ =	swait.ge [sflag:s31], $0x20  }
0x178: {  	[sflag:s31] =	ssyncset.done $0x0  }
0x179: {  	[sflag:s31] =	ssyncadd.s32 $0xFFFFFFE0  }
0x17a: {  	_ =	swait.ge [sflag:s31], $0x20  }
0x17b: {  	[sflag:s31] =	ssyncset.done $0x0  }
0x17c: {  	[sflag:s31] =	ssyncadd.s32 $0xFFFFFFE0  }
0x17d: {  	_ =	swait.ge [sflag:s31], $0x20  }
0x17e: {  	[sflag:s31] =	ssyncset.done $0x0  }
0x17f: {  	[sflag:s31] =	ssyncadd.s32 $0xFFFFFFE0  }
0x180: {  	_ =	swait.ge [sflag:s31], $0x20  }
0x181: {  	[sflag:s31] =	ssyncset.done $0x0  }
0x182: {  	[sflag:s31] =	ssyncadd.s32 $0xFFFFFFE0  }
0x183: {  	_ =	swait.ge [sflag:s31], $0x20  }
0x184: {  	[sflag:s31] =	ssyncset.done $0x0  }
0x185: {  	[sflag:s31] =	ssyncadd.s32 $0xFFFFFFE0  }
0x186: {  	_ =	swait.ge [sflag:s31], $0x20  }
0x187: {  	[sflag:s31] =	ssyncset.done $0x0  }
0x188: {  	[sflag:s31] =	ssyncadd.s32 $0xFFFFFFE0  }
0x189: {  	_ =	swait.ge [sflag:s31], $0x20  }
0x18a: {  	[sflag:s31] =	ssyncset.done $0x0  }
0x18b: {  	[sflag:s31] =	ssyncadd.s32 $0xFFFFFFE0  }
0x18c: {  	_ =	swait.ge [sflag:s31], $0x20  }
0x18d: {  	[sflag:s31] =	ssyncset.done $0x0  }
0x18e: {  	[sflag:s31] =	ssyncadd.s32 $0xFFFFFFE0  }
0x18f: {  	_ =	swait.ge [sflag:s31], $0x20  }
0x190: {  	[sflag:s31] =	ssyncset.done $0x0  }
0x191: {  	[sflag:s31] =	ssyncadd.s32 $0xFFFFFFE0  }
0x192: {  	_ =	swait.ge [sflag:s31], $0x20  }
0x193: {  	[sflag:s31] =	ssyncset.done $0x0  }
0x194: {  	[sflag:s31] =	ssyncadd.s32 $0xFFFFFFE0  }
0x195: {  	_ =	swait.ge [sflag:s31], $0x20  }
0x196: {  	[sflag:s31] =	ssyncset.done $0x0  }
0x197: {  	[sflag:s31] =	ssyncadd.s32 $0xFFFFFFE0  }
0x198: {  	_ =	swait.ge [sflag:s31], $0x20  }
0x199: {  	[sflag:s31] =	ssyncset.done $0x0  }
0x19a: {  	[sflag:s31] =	ssyncadd.s32 $0xFFFFFFE0  }
0x19b: {  	_ =	swait.ge [sflag:s31], $0x20  }
0x19c: {  	[sflag:s31] =	ssyncset.done $0x0  }
0x19d: {  	[sflag:s31] =	ssyncadd.s32 $0xFFFFFFE0  }
0x19e: {  	_ =	swait.ge [sflag:s31], $0x20  }
0x19f: {  	[sflag:s31] =	ssyncset.done $0x0  }
0x1a0: {  	s2 =	rddreg [dreg:$0x15];
	[sflag:s31] =	ssyncadd.s32 $0xFFFFFFE0  }
0x1a1: {  	[hbm4b:s2+s1] =	stream.linear.scatter [tilespmem:s30], [sflag:$0x2], $0x20, $0x38;
	[tilespmem:$0x220] =	vst v63  }
0x1a2: {  	_ =	swait.ge [sflag:s3], $0x20  }
0x1a3: {  	[sflag:s3] =	ssyncset.done $0x0  }
0x1a4: {  	s31 =	rddreg [dreg:$0x16];
	[sflag:s3] =	ssyncadd.s32 $0xFFFFFFE0  }
0x1a5: {  	[hbm4b:s31+s1] =	stream.linear.scatter [tilespmem:s29], [sflag:$0x2], $0x20, $0x38;
	[tilespmem:$0x220] =	vst v63  }
0x1a6: {  	_ =	swait.ge [sflag:s3], $0x20  }
0x1a7: {  	[sflag:s3] =	ssyncset.done $0x0  }
0x1a8: {  	s2 =	rddreg [dreg:$0x17];
	[sflag:s3] =	ssyncadd.s32 $0xFFFFFFE0  }
0x1a9: {  	[hbm4b:s2+s1] =	stream.linear.scatter [tilespmem:s28], [sflag:$0x2], $0x20, $0x38;
	[tilespmem:$0x220] =	vst v63  }
0x1aa: {  	_ =	swait.ge [sflag:s3], $0x20  }
0x1ab: {  	[sflag:s3] =	ssyncset.done $0x0  }
0x1ac: {  	s28 =	rddreg [dreg:$0x18];
	[sflag:s3] =	ssyncadd.s32 $0xFFFFFFE0  }
0x1ad: {  	[hbm4b:s28+s1] =	stream.linear.scatter [tilespmem:s26], [sflag:$0x2], $0x20, $0x38;
	[tilespmem:$0x220] =	vst v63  }
0x1ae: {  	_ =	swait.ge [sflag:s3], $0x20  }
0x1af: {  	[sflag:s3] =	ssyncset.done $0x0  }
0x1b0: {  	s29 =	rddreg [dreg:$0x19];
	[sflag:s3] =	ssyncadd.s32 $0xFFFFFFE0  }
0x1b1: {  	[hbm4b:s29+s1] =	stream.linear.scatter [tilespmem:s25], [sflag:$0x2], $0x20, $0x38;
	[tilespmem:$0x220] =	vst v63  }
0x1b2: {  	_ =	swait.ge [sflag:s3], $0x20  }
0x1b3: {  	[sflag:s3] =	ssyncset.done $0x0  }
0x1b4: {  	s30 =	rddreg [dreg:$0x1a];
	[sflag:s3] =	ssyncadd.s32 $0xFFFFFFE0  }
0x1b5: {  	[hbm4b:s30+s1] =	stream.linear.scatter [tilespmem:s24], [sflag:$0x2], $0x20, $0x38;
	[tilespmem:$0x220] =	vst v63  }
0x1b6: {  	_ =	swait.ge [sflag:s3], $0x20  }
0x1b7: {  	[sflag:s3] =	ssyncset.done $0x0  }
0x1b8: {  	[sflag:s3] =	ssyncadd.s32 $0xFFFFFFE0  }
0x1b9: {  	[hbm4b:s15+s1] =	stream.linear.scatter [tilespmem:s23], [sflag:$0x2], $0x20, $0x38;
	[tilespmem:$0x220] =	vst v63  }
0x1ba: {  	_ =	swait.ge [sflag:s3], $0x20  }
0x1bb: {  	[sflag:s3] =	ssyncset.done $0x0  }
0x1bc: {  	[sflag:s3] =	ssyncadd.s32 $0xFFFFFFE0  }
0x1bd: {  	[hbm4b:s13+s1] =	stream.linear.scatter [tilespmem:s22], [sflag:$0x2], $0x20, $0x38;
	[tilespmem:$0x220] =	vst v63  }
0x1be: {  	_ =	swait.ge [sflag:s3], $0x20  }
0x1bf: {  	[sflag:s3] =	ssyncset.done $0x0  }
0x1c0: {  	[sflag:s3] =	ssyncadd.s32 $0xFFFFFFE0  }
0x1c1: {  	[hbm4b:s11+s1] =	stream.linear.scatter [tilespmem:s21], [sflag:$0x2], $0x20, $0x38;
	[tilespmem:$0x220] =	vst v63  }
0x1c2: {  	_ =	swait.ge [sflag:s3], $0x20  }
0x1c3: {  	[sflag:s3] =	ssyncset.done $0x0  }
0x1c4: {  	[sflag:s3] =	ssyncadd.s32 $0xFFFFFFE0  }
0x1c5: {  	[hbm4b:s10+s1] =	stream.linear.scatter [tilespmem:s20], [sflag:$0x2], $0x20, $0x38;
	[tilespmem:$0x220] =	vst v63  }
0x1c6: {  	_ =	swait.ge [sflag:s3], $0x20  }
0x1c7: {  	[sflag:s3] =	ssyncset.done $0x0  }
0x1c8: {  	[sflag:s3] =	ssyncadd.s32 $0xFFFFFFE0  }
0x1c9: {  	[hbm4b:s9+s1] =	stream.linear.scatter [tilespmem:s18], [sflag:$0x2], $0x20, $0x38;
	[tilespmem:$0x220] =	vst v63  }
0x1ca: {  	_ =	swait.ge [sflag:s3], $0x20  }
0x1cb: {  	[sflag:s3] =	ssyncset.done $0x0  }
0x1cc: {  	[sflag:s3] =	ssyncadd.s32 $0xFFFFFFE0  }
0x1cd: {  	[hbm4b:s8+s1] =	stream.linear.scatter [tilespmem:s19], [sflag:$0x2], $0x20, $0x38;
	[tilespmem:$0x220] =	vst v63  }
0x1ce: {  	_ =	swait.ge [sflag:s3], $0x20  }
0x1cf: {  	[sflag:s3] =	ssyncset.done $0x0  }
0x1d0: {  	[sflag:s3] =	ssyncadd.s32 $0xFFFFFFE0  }
0x1d1: {  	[hbm4b:s7+s1] =	stream.linear.scatter [tilespmem:s17], [sflag:$0x2], $0x20, $0x38;
	[tilespmem:$0x220] =	vst v63  }
0x1d2: {  	_ =	swait.ge [sflag:s3], $0x20  }
0x1d3: {  	[sflag:s3] =	ssyncset.done $0x0  }
0x1d4: {  	[sflag:s3] =	ssyncadd.s32 $0xFFFFFFE0  }
0x1d5: {  	[hbm4b:s6+s1] =	stream.linear.scatter [tilespmem:s16], [sflag:$0x2], $0x20, $0x38;
	[tilespmem:$0x220] =	vst v63  }
0x1d6: {  	_ =	swait.ge [sflag:s3], $0x20  }
0x1d7: {  	[sflag:s3] =	ssyncset.done $0x0  }
0x1d8: {  	[sflag:s3] =	ssyncadd.s32 $0xFFFFFFE0  }
0x1d9: {  	[hbm4b:s5+s1] =	stream.linear.scatter [tilespmem:s14], [sflag:$0x2], $0x20, $0x38;
	[tilespmem:$0x220] =	vst v63  }
0x1da: {  	_ =	swait.ge [sflag:s3], $0x20  }
0x1db: {  	[sflag:s3] =	ssyncset.done $0x0  }
0x1dc: {  	[sflag:s3] =	ssyncadd.s32 $0xFFFFFFE0  }
0x1dd: {  	[hbm4b:s4+s1] =	stream.linear.scatter [tilespmem:s12], [sflag:$0x2], $0x20, $0x38;
	[tilespmem:$0x220] =	vst v63  }
0x1de: {  	_ =	swait.ge [sflag:s3], $0x20  }
0x1df: {  	[sflag:s3] =	ssyncset.done $0x0  }
0x1e0: {  	[sflag:s3] =	ssyncadd.s32 $0xFFFFFFE0  }
0x1e1: {  	_ =	sfence.sel $0x180000  }
0x1e2: {  	[bflag:$0x0] =	sbarrier.arrive $0xFFFF  }
0x1e3: {  	_ =	strace $0x90000047  }
0x1e4: {  	s31 =	stileid.u32;
	[bflag:$0x2] =	sbarrier.arrive $0xFFFF  }
0x1e5: {  	p0 =	sne.s32 s31, $0x0;
	s0 =	rddreg [dreg:$0x3]  }
0x1e6: {  	s0 =	sadd.s32 @!p0 $0x100000, s0  }
0x1e7: {  	[sflag:s0] =	ssyncadd.tile.s32 @!p0 $0x1;
	_ =	shalt  }
.Lfunc_end2:
_tile_overlayer_lowered:
.L_overlay_start_2:
0x1e8: {  	(tag) =	ssettag $0x2  }
0x1e9: {  	s0 =	rddreg [dreg:$0x0];
	s2 =	stileid.u32  }
0x1ea: {  	s1 =	rddreg [dreg:$0x1];
	p0 =	sne.s32 s2, $0x0  }
0x1eb: {  	s3 =	rddreg [dreg:$0x2];
	[bflag:$0x3] =	sbarrier.arrive $0xFFFF;
	s2 =	simm.s32 @!p0 $0x1C02  }
0x1ec: {  	[timem:s3], [sflag:s2] =	dma.local @!p0 [hbm:s0], s1  }
0x1ed: {  	s0 =	simm.s32 @!p0 $0x2  }
0x1ee: {  	_ =	swait.ge @!p0 [sflag:s0], s1  }
0x1ef: {  	s1 =	ssub.s32 @!p0 $0x0, s1;
	[sflag:s0] =	ssyncset.done @!p0 $0x0  }
0x1f0: {  	[sflag:s0] =	ssyncadd.s32 @!p0 s1  }
0x1f1: {  	[bflag:$0x3] =	sbarrier.arrive $0xFFFF  }
0x1f2: {  	_ =	shalt  }

</sc_bundles>
